<compile_context>
chip_gen: v7x
topology: tpu7x:2x2x1
jax: 0.10.2.dev20260603
libtpu: 0.0.44.dev20260713+nightly
codegen_flags: <defaults>
</compile_context>

<pallas_src>
import jax
import jax.numpy as jnp
from jax.experimental import pallas as pl
from jax.experimental.pallas import tpu as pltpu

B = 64
OBS = 2048
TOTAL = 2304
PRED = TOTAL - OBS
A_DIM = 5
S_DIM = 2
Z_DIM = 16
K = 5
DELTA = 1e-4
H = 512
XFLAT = 192

ENC_TILE = 1024


def _enc_kernel(x_ref, w1_ref, b1_ref, wms_ref, bms_ref, out_ref):
    x = x_ref[...] * 2.0 - 1.0
    h = jnp.tanh(jnp.dot(x, w1_ref[...], preferred_element_type=jnp.float32)
                 + b1_ref[...])
    y = jnp.dot(h, wms_ref[...], preferred_element_type=jnp.float32) + bms_ref[...]
    col = jax.lax.broadcasted_iota(jnp.int32, y.shape, 1)
    out_ref[...] = jnp.where(col < Z_DIM, y, jnp.exp(y))


def _bq(a):
    return a.astype(jnp.bfloat16).astype(jnp.float32)


def _scan_kernel(act_ref, wst_ref, w1_ref, b1_ref, w2_ref, b2_ref,
                 stx_ref, sty_ref, rx_ref, ry_ref):
    rx = jnp.zeros((TOTAL, B), jnp.float32)
    ry = jnp.zeros((TOTAL, B), jnp.float32)
    for a in range(A_DIM):
        act_a = _bq(act_ref[a])
        rx = rx + act_a * wst_ref[a, 0]
        ry = ry + act_a * wst_ref[a, 1]
    rx_ref[...] = rx
    ry_ref[...] = ry
    stx_ref[0:1, :] = jnp.zeros((1, B), jnp.float32)
    sty_ref[0:1, :] = jnp.zeros((1, B), jnp.float32)

    def step(t, st):
        stx, sty = st
        rpx = rx_ref[pl.ds(t, 1), :]
        rpy = ry_ref[pl.ds(t, 1), :]
        spx = stx + rpx
        spy = sty + rpy
        sq = jnp.concatenate([spx, spy], axis=0)
        hh = jnp.tanh(
            jnp.dot(w1_ref[...].T, sq, preferred_element_type=jnp.float32)
            + b1_ref[...].T)
        gg = jax.nn.sigmoid(
            jnp.dot(w2_ref[...].T, hh, preferred_element_type=jnp.float32)
            + b2_ref[...].T)
        stx = stx + rpx * gg[0:1]
        sty = sty + rpy * gg[1:2]
        stx_ref[pl.ds(t, 1), :] = stx
        sty_ref[pl.ds(t, 1), :] = sty
        return stx, sty

    jax.lax.fori_loop(1, TOTAL, step,
                      (jnp.zeros((1, B), jnp.float32),
                       jnp.zeros((1, B), jnp.float32)))


def _knn_kernel(q_ref, m_ref, zt_ref, ms_ref):
    q = q_ref[0]
    mt = m_ref[0]
    qx = q[:, 0:1]
    qy = q[:, 1:2]
    mx = mt[0:1, :]
    my = mt[1:2, :]
    dx = qx - mx
    dy = qy - my
    d = dx * dx + dy * dy

    col = jax.lax.broadcasted_iota(jnp.int32, (PRED, OBS), 1)
    u = jnp.zeros((PRED, OBS), jnp.float32)
    denom = jnp.zeros((PRED, 1), jnp.float32)
    for _ in range(K):
        mn = jnp.min(d, axis=1, keepdims=True)
        idx = jnp.min(jnp.where(d <= mn, col, OBS), axis=1, keepdims=True)
        oneh = col == idx
        wk = 1.0 / (mn + DELTA)
        u = u + jnp.where(oneh, wk, 0.0)
        denom = denom + wk
        d = jnp.where(oneh, jnp.float32(1e30), d)

    zt = zt_ref[0]
    numer = jnp.dot(u, zt, preferred_element_type=jnp.float32)
    ms_ref[0] = numer / denom


def _dec_kernel(ms_ref, eps_ref, wd1_ref, bd1_ref, wd2_ref, bd2_ref, out_ref):
    ms = jnp.transpose(ms_ref[...], (1, 0, 2))
    ms = ms.reshape(-1, 2 * Z_DIM)
    z = ms[:, :Z_DIM] + ms[:, Z_DIM:] * eps_ref[...]
    hd = jnp.tanh(jnp.dot(z, wd1_ref[...], preferred_element_type=jnp.float32)
                  + bd1_ref[...])
    xr = jnp.tanh(jnp.dot(hd, wd2_ref[...], preferred_element_type=jnp.float32)
                  + bd2_ref[...])
    out_ref[...] = (xr + 1.0) * 0.5


@jax.jit
def kernel(x_obs, actions, eps, W_enc1, b_enc1, W_mean, b_mean, W_std, b_std,
           W_st, W_sig1, b_sig1, W_sig2, b_sig2, W_dec1, b_dec1, W_dec2, b_dec2):
    f32 = jnp.float32
    nrows = B * OBS
    x_flat = x_obs.reshape(nrows, XFLAT)
    w_ms = jnp.concatenate([W_mean, W_std], axis=1)
    b_ms = jnp.concatenate([b_mean, b_std], axis=0).reshape(1, 2 * Z_DIM)
    b1r = b_enc1.reshape(1, H)

    zt = pl.pallas_call(
        _enc_kernel,
        grid=(nrows // ENC_TILE,),
        in_specs=[
            pl.BlockSpec((ENC_TILE, XFLAT), lambda i: (i, 0)),
            pl.BlockSpec((XFLAT, H), lambda i: (0, 0)),
            pl.BlockSpec((1, H), lambda i: (0, 0)),
            pl.BlockSpec((H, 2 * Z_DIM), lambda i: (0, 0)),
            pl.BlockSpec((1, 2 * Z_DIM), lambda i: (0, 0)),
        ],
        out_specs=pl.BlockSpec((ENC_TILE, 2 * Z_DIM), lambda i: (i, 0)),
        out_shape=jax.ShapeDtypeStruct((nrows, 2 * Z_DIM), f32),
    )(x_flat, W_enc1, b1r, w_ms, b_ms)
    zt = zt.reshape(B, OBS, 2 * Z_DIM)

    bfq = lambda a: a.astype(jnp.bfloat16).astype(f32)
    act_r = actions.transpose(1, 2, 0)
    smem_spec = pl.BlockSpec(memory_space=pltpu.SMEM)
    st_x, st_y = pl.pallas_call(
        _scan_kernel,
        grid=(1,),
        in_specs=[
            pl.BlockSpec((A_DIM, TOTAL, B), lambda i: (0, 0, 0)),
            smem_spec,
            pl.BlockSpec((S_DIM, 10), lambda i: (0, 0)),
            pl.BlockSpec((1, 10), lambda i: (0, 0)),
            pl.BlockSpec((10, S_DIM), lambda i: (0, 0)),
            pl.BlockSpec((1, S_DIM), lambda i: (0, 0)),
        ],
        out_specs=[pl.BlockSpec((TOTAL, B), lambda i: (0, 0)),
                   pl.BlockSpec((TOTAL, B), lambda i: (0, 0))],
        out_shape=[jax.ShapeDtypeStruct((TOTAL, B), f32),
                   jax.ShapeDtypeStruct((TOTAL, B), f32)],
        scratch_shapes=[pltpu.VMEM((TOTAL, B), f32),
                        pltpu.VMEM((TOTAL, B), f32)],
    )(act_r, bfq(W_st), bfq(W_sig1), b_sig1.reshape(1, 10), bfq(W_sig2),
      b_sig2.reshape(1, S_DIM))

    q = jnp.stack([st_x[OBS:], st_y[OBS:]], axis=-1).transpose(1, 0, 2)
    m_t = jnp.stack([st_x[:OBS].T, st_y[:OBS].T], axis=1)

    ms = pl.pallas_call(
        _knn_kernel,
        grid=(B,),
        in_specs=[
            pl.BlockSpec((1, PRED, S_DIM), lambda b: (b, 0, 0)),
            pl.BlockSpec((1, S_DIM, OBS), lambda b: (b, 0, 0)),
            pl.BlockSpec((1, OBS, 2 * Z_DIM), lambda b: (b, 0, 0)),
        ],
        out_specs=pl.BlockSpec((1, PRED, 2 * Z_DIM), lambda b: (b, 0, 0)),
        out_shape=jax.ShapeDtypeStruct((B, PRED, 2 * Z_DIM), f32),
    )(q, m_t, zt)

    PT = 64
    out = pl.pallas_call(
        _dec_kernel,
        grid=(PRED // PT,),
        in_specs=[
            pl.BlockSpec((B, PT, 2 * Z_DIM), lambda p: (0, p, 0)),
            pl.BlockSpec((PT * B, Z_DIM), lambda p: (p, 0)),
            pl.BlockSpec((Z_DIM, H), lambda p: (0, 0)),
            pl.BlockSpec((1, H), lambda p: (0, 0)),
            pl.BlockSpec((H, XFLAT), lambda p: (0, 0)),
            pl.BlockSpec((1, XFLAT), lambda p: (0, 0)),
        ],
        out_specs=pl.BlockSpec((PT * B, XFLAT), lambda p: (p, 0)),
        out_shape=jax.ShapeDtypeStruct((PRED * B, XFLAT), f32),
    )(ms, eps.reshape(PRED * B, Z_DIM), W_dec1, b_dec1.reshape(1, H),
      W_dec2, b_dec2.reshape(1, XFLAT))

    return out.reshape(PRED, B, 3, 8, 8)

# --- scband reference (transcript-rebuilt; emitter-appended) ---
"""Pipeline reference for scband-gtm-sm-45183055954123 (READ-ONLY COPY).

The authoritative reference and input builder live on the scoring server;
editing this copy changes nothing except your own understanding.
"""

import jax, jax.numpy as jnp
import numpy as np

B = 64
OBS = 2048
TOTAL = 2304
PRED = TOTAL - OBS
A_DIM = 5
S_DIM = 2
Z_DIM = 16
K = 5
DELTA = 1e-4
H = 512
XFLAT = 192


def setup_inputs(seed: int = 0) -> dict:
    key = jax.random.key(seed)
    ks = jax.random.split(key, 16)

    def lin(k, i, o):
        return (jax.random.normal(k, (i, o), dtype=jnp.float32) / np.sqrt(i)).astype(jnp.float32)

    inp = {}
    inp["x_obs"] = jax.random.uniform(ks[0], (B, OBS, 3, 8, 8), dtype=jnp.float32)
    inp["actions"] = jax.random.uniform(ks[1], (B, A_DIM, TOTAL), dtype=jnp.float32)
    inp["eps"] = jax.random.normal(ks[2], (PRED, B, Z_DIM), dtype=jnp.float32)
    inp["W_enc1"] = lin(ks[3], XFLAT, H)
    inp["b_enc1"] = jnp.zeros((H,), jnp.float32)
    inp["W_mean"] = lin(ks[4], H, Z_DIM)
    inp["b_mean"] = jnp.zeros((Z_DIM,), jnp.float32)
    inp["W_std"] = lin(ks[5], H, Z_DIM)
    inp["b_std"] = jnp.zeros((Z_DIM,), jnp.float32)
    inp["W_st"] = lin(ks[6], A_DIM, S_DIM)
    inp["W_sig1"] = lin(ks[7], S_DIM, 10)
    inp["b_sig1"] = jnp.zeros((10,), jnp.float32)
    inp["W_sig2"] = lin(ks[8], 10, S_DIM)
    inp["b_sig2"] = jnp.zeros((S_DIM,), jnp.float32)
    inp["W_dec1"] = lin(ks[9], Z_DIM, H)
    inp["b_dec1"] = jnp.zeros((H,), jnp.float32)
    inp["W_dec2"] = lin(ks[10], H, XFLAT)
    inp["b_dec2"] = jnp.zeros((XFLAT,), jnp.float32)
    return inp


def reference(x_obs, actions, eps, W_enc1, b_enc1, W_mean, b_mean, W_std, b_std,
              W_st, W_sig1, b_sig1, W_sig2, b_sig2, W_dec1, b_dec1, W_dec2, b_dec2):
    # --- encode observed glimpses: enc_zt = Preprocess -> Flatten -> Linear(192,512) -> Tanh ---
    xp = x_obs * 2.0 - 1.0                                   # Preprocess_img
    flat = xp.reshape(B, OBS, XFLAT)                          # Flatten
    h = jnp.tanh(flat @ W_enc1 + b_enc1)
    zt_mean_obs = h @ W_mean + b_mean                         # [B, OBS, Z]
    zt_std_obs = jnp.exp(h @ W_std + b_std)                   # Exponent, [B, OBS, Z]

    # --- state recurrence: st = st_prev + repl * sigmoid_net(st_prev + repl) ---
    repl_all = jnp.einsum('bat,as->tbs', actions, W_st)       # [TOTAL, B, S]

    def sig_net(s):
        return jax.nn.sigmoid(jnp.tanh(s @ W_sig1 + b_sig1) @ W_sig2 + b_sig2)

    def step(st, repl):
        st_new = st + repl * sig_net(st + repl)
        return st_new, st_new

    st0 = jnp.zeros((B, S_DIM), jnp.float32)
    _, st_seq = jax.lax.scan(step, st0, repl_all[1:TOTAL])    # [TOTAL-1, B, S]
    st_all = jnp.concatenate([st0[None], st_seq], axis=0)     # [TOTAL, B, S]
    st_obs = st_all[:OBS]                                     # [OBS, B, S]
    st_pred = st_all[OBS:]                                    # [PRED, B, S]

    # --- k-nearest-neighbour retrieval in position space (pyflann replacement) ---
    mem = jnp.transpose(st_obs, (1, 0, 2))                    # [B, OBS, S]
    dist2 = jnp.sum((st_pred[:, :, None, :] - mem[None, :, :, :]) ** 2, axis=-1)  # [PRED, B, OBS]
    neg_vals, idx = jax.lax.top_k(-dist2, K)                  # k smallest distances
    dist_k = -neg_vals                                        # [PRED, B, K]
    w = 1.0 / (dist_k + DELTA)
    w = w / jnp.sum(w, axis=-1, keepdims=True)                # [PRED, B, K]

    gather = jax.vmap(lambda m, i: m[i], in_axes=(0, 1), out_axes=1)
    mean_k = gather(zt_mean_obs, idx)                         # [PRED, B, K, Z]
    std_k = gather(zt_std_obs, idx)                           # [PRED, B, K, Z]
    zt_mean_pred = jnp.sum(w[..., None] * mean_k, axis=2)     # [PRED, B, Z]
    zt_std_pred = jnp.sum(w[..., None] * std_k, axis=2)       # [PRED, B, Z]

    # --- reparameterized sample + decoder: Linear -> Tanh -> Linear -> Tanh -> Unflatten -> Deprocess ---
    z = zt_mean_pred + zt_std_pred * eps                      # [PRED, B, Z]
    hd = jnp.tanh(z @ W_dec1 + b_dec1)
    xr = jnp.tanh(hd @ W_dec2 + b_dec2)
    x_pred = (xr + 1.0) / 2.0                                 # Deprocess_img
    return x_pred.reshape(PRED, B, 3, 8, 8)

if __name__ == "__main__":
    import jax
    _d = setup_inputs()
    print(jax.jit(kernel)(*tuple(_d.values())))

</pallas_src>

<mosaic_0001>
module attributes {stable_mosaic.version = 14 : i64} {
  func.func @_scan_kernel(%arg0: i32, %arg1: memref<5x2304x64xf32, #tpu.memory_space<vmem>>, %arg2: memref<5x2xf32, #tpu.memory_space<smem>>, %arg3: memref<2x10xf32, #tpu.memory_space<vmem>>, %arg4: memref<1x10xf32, #tpu.memory_space<vmem>>, %arg5: memref<10x2xf32, #tpu.memory_space<vmem>>, %arg6: memref<1x2xf32, #tpu.memory_space<vmem>>, %arg7: memref<2304x64xf32, #tpu.memory_space<vmem>>, %arg8: memref<2304x64xf32, #tpu.memory_space<vmem>>, %arg9: memref<2304x64xf32, #tpu.memory_space<vmem>>, %arg10: memref<2304x64xf32, #tpu.memory_space<vmem>>) attributes {dimension_semantics = [#tpu.dimension_semantics<arbitrary>], iteration_bounds = array<i64: 1>, scalar_prefetch = 0 : i64, scratch_operands = 2 : i64, tpu.core_type = #tpu.core_type<tc>, window_params = [{pipeline_mode = #tpu.pipeline_mode<synchronous>, transform_indices = @transform_0, window_bounds = array<i64: 5, 2304, 64>}, {transform_indices = @transform_1, window_bounds = array<i64: 5, 2>}, {pipeline_mode = #tpu.pipeline_mode<synchronous>, transform_indices = @transform_2, window_bounds = array<i64: 2, 10>}, {pipeline_mode = #tpu.pipeline_mode<synchronous>, transform_indices = @transform_3, window_bounds = array<i64: 1, 10>}, {pipeline_mode = #tpu.pipeline_mode<synchronous>, transform_indices = @transform_4, window_bounds = array<i64: 10, 2>}, {pipeline_mode = #tpu.pipeline_mode<synchronous>, transform_indices = @transform_5, window_bounds = array<i64: 1, 2>}, {pipeline_mode = #tpu.pipeline_mode<synchronous>, transform_indices = @transform_6, window_bounds = array<i64: 2304, 64>}, {pipeline_mode = #tpu.pipeline_mode<synchronous>, transform_indices = @transform_7, window_bounds = array<i64: 2304, 64>}]} {
    %broadcast_in_dim3A = arith.constant 0.000000e+00 : f32
    %broadcast_in_dim3A_0 = vector.broadcast %broadcast_in_dim3A : f32 to vector<2304x64xf32>
    %broadcast_in_dim3A_1 = arith.constant 0.000000e+00 : f32
    %broadcast_in_dim3A_2 = vector.broadcast %broadcast_in_dim3A_1 : f32 to vector<2304x64xf32>
    %get3A = arith.constant 0 : index
    %get3A_3 = arith.constant 0 : index
    %get3A_4 = arith.constant 0 : index
    %get3A_5 = vector.load %arg1[%get3A, %get3A_3, %get3A_4] : memref<5x2304x64xf32, #tpu.memory_space<vmem>>, vector<1x2304x64xf32>
    %get3A_6 = vector.shape_cast %get3A_5 : vector<1x2304x64xf32> to vector<2304x64xf32>
    %convert_element_type3A = arith.truncf %get3A_6 : vector<2304x64xf32> to vector<2304x64xbf16>
    %convert_element_type3A_7 = arith.extf %convert_element_type3A : vector<2304x64xbf16> to vector<2304x64xf32>
    %get3A_8 = arith.constant 0 : index
    %get3A_9 = arith.constant 0 : index
    %get3A_10 = memref.load %arg2[%get3A_8, %get3A_9] : memref<5x2xf32, #tpu.memory_space<smem>>
    %mul3A = vector.broadcast %get3A_10 : f32 to vector<2304x64xf32>
    %mul3A_11 = arith.mulf %convert_element_type3A_7, %mul3A : vector<2304x64xf32>
    %add3A = arith.addf %broadcast_in_dim3A_0, %mul3A_11 : vector<2304x64xf32>
    %get3A_12 = arith.constant 0 : index
    %get3A_13 = arith.constant 1 : index
    %get3A_14 = memref.load %arg2[%get3A_12, %get3A_13] : memref<5x2xf32, #tpu.memory_space<smem>>
    %mul3A_15 = vector.broadcast %get3A_14 : f32 to vector<2304x64xf32>
    %mul3A_16 = arith.mulf %convert_element_type3A_7, %mul3A_15 : vector<2304x64xf32>
    %add3A_17 = arith.addf %broadcast_in_dim3A_2, %mul3A_16 : vector<2304x64xf32>
    %get3A_18 = arith.constant 1 : index
    %get3A_19 = arith.constant 0 : index
    %get3A_20 = arith.constant 0 : index
    %get3A_21 = vector.load %arg1[%get3A_18, %get3A_19, %get3A_20] : memref<5x2304x64xf32, #tpu.memory_space<vmem>>, vector<1x2304x64xf32>
    %get3A_22 = vector.shape_cast %get3A_21 : vector<1x2304x64xf32> to vector<2304x64xf32>
    %convert_element_type3A_23 = arith.truncf %get3A_22 : vector<2304x64xf32> to vector<2304x64xbf16>
    %convert_element_type3A_24 = arith.extf %convert_element_type3A_23 : vector<2304x64xbf16> to vector<2304x64xf32>
    %get3A_25 = arith.constant 1 : index
    %get3A_26 = arith.constant 0 : index
    %get3A_27 = memref.load %arg2[%get3A_25, %get3A_26] : memref<5x2xf32, #tpu.memory_space<smem>>
    %mul3A_28 = vector.broadcast %get3A_27 : f32 to vector<2304x64xf32>
    %mul3A_29 = arith.mulf %convert_element_type3A_24, %mul3A_28 : vector<2304x64xf32>
    %add3A_30 = arith.addf %add3A, %mul3A_29 : vector<2304x64xf32>
    %get3A_31 = arith.constant 1 : index
    %get3A_32 = arith.constant 1 : index
    %get3A_33 = memref.load %arg2[%get3A_31, %get3A_32] : memref<5x2xf32, #tpu.memory_space<smem>>
    %mul3A_34 = vector.broadcast %get3A_33 : f32 to vector<2304x64xf32>
    %mul3A_35 = arith.mulf %convert_element_type3A_24, %mul3A_34 : vector<2304x64xf32>
    %add3A_36 = arith.addf %add3A_17, %mul3A_35 : vector<2304x64xf32>
    %get3A_37 = arith.constant 2 : index
    %get3A_38 = arith.constant 0 : index
    %get3A_39 = arith.constant 0 : index
    %get3A_40 = vector.load %arg1[%get3A_37, %get3A_38, %get3A_39] : memref<5x2304x64xf32, #tpu.memory_space<vmem>>, vector<1x2304x64xf32>
    %get3A_41 = vector.shape_cast %get3A_40 : vector<1x2304x64xf32> to vector<2304x64xf32>
    %convert_element_type3A_42 = arith.truncf %get3A_41 : vector<2304x64xf32> to vector<2304x64xbf16>
    %convert_element_type3A_43 = arith.extf %convert_element_type3A_42 : vector<2304x64xbf16> to vector<2304x64xf32>
    %get3A_44 = arith.constant 2 : index
    %get3A_45 = arith.constant 0 : index
    %get3A_46 = memref.load %arg2[%get3A_44, %get3A_45] : memref<5x2xf32, #tpu.memory_space<smem>>
    %mul3A_47 = vector.broadcast %get3A_46 : f32 to vector<2304x64xf32>
    %mul3A_48 = arith.mulf %convert_element_type3A_43, %mul3A_47 : vector<2304x64xf32>
    %add3A_49 = arith.addf %add3A_30, %mul3A_48 : vector<2304x64xf32>
    %get3A_50 = arith.constant 2 : index
    %get3A_51 = arith.constant 1 : index
    %get3A_52 = memref.load %arg2[%get3A_50, %get3A_51] : memref<5x2xf32, #tpu.memory_space<smem>>
    %mul3A_53 = vector.broadcast %get3A_52 : f32 to vector<2304x64xf32>
    %mul3A_54 = arith.mulf %convert_element_type3A_43, %mul3A_53 : vector<2304x64xf32>
    %add3A_55 = arith.addf %add3A_36, %mul3A_54 : vector<2304x64xf32>
    %get3A_56 = arith.constant 3 : index
    %get3A_57 = arith.constant 0 : index
    %get3A_58 = arith.constant 0 : index
    %get3A_59 = vector.load %arg1[%get3A_56, %get3A_57, %get3A_58] : memref<5x2304x64xf32, #tpu.memory_space<vmem>>, vector<1x2304x64xf32>
    %get3A_60 = vector.shape_cast %get3A_59 : vector<1x2304x64xf32> to vector<2304x64xf32>
    %convert_element_type3A_61 = arith.truncf %get3A_60 : vector<2304x64xf32> to vector<2304x64xbf16>
    %convert_element_type3A_62 = arith.extf %convert_element_type3A_61 : vector<2304x64xbf16> to vector<2304x64xf32>
    %get3A_63 = arith.constant 3 : index
    %get3A_64 = arith.constant 0 : index
    %get3A_65 = memref.load %arg2[%get3A_63, %get3A_64] : memref<5x2xf32, #tpu.memory_space<smem>>
    %mul3A_66 = vector.broadcast %get3A_65 : f32 to vector<2304x64xf32>
    %mul3A_67 = arith.mulf %convert_element_type3A_62, %mul3A_66 : vector<2304x64xf32>
    %add3A_68 = arith.addf %add3A_49, %mul3A_67 : vector<2304x64xf32>
    %get3A_69 = arith.constant 3 : index
    %get3A_70 = arith.constant 1 : index
    %get3A_71 = memref.load %arg2[%get3A_69, %get3A_70] : memref<5x2xf32, #tpu.memory_space<smem>>
    %mul3A_72 = vector.broadcast %get3A_71 : f32 to vector<2304x64xf32>
    %mul3A_73 = arith.mulf %convert_element_type3A_62, %mul3A_72 : vector<2304x64xf32>
    %add3A_74 = arith.addf %add3A_55, %mul3A_73 : vector<2304x64xf32>
    %get3A_75 = arith.constant 4 : index
    %get3A_76 = arith.constant 0 : index
    %get3A_77 = arith.constant 0 : index
    %get3A_78 = vector.load %arg1[%get3A_75, %get3A_76, %get3A_77] : memref<5x2304x64xf32, #tpu.memory_space<vmem>>, vector<1x2304x64xf32>
    %get3A_79 = vector.shape_cast %get3A_78 : vector<1x2304x64xf32> to vector<2304x64xf32>
    %convert_element_type3A_80 = arith.truncf %get3A_79 : vector<2304x64xf32> to vector<2304x64xbf16>
    %convert_element_type3A_81 = arith.extf %convert_element_type3A_80 : vector<2304x64xbf16> to vector<2304x64xf32>
    %get3A_82 = arith.constant 4 : index
    %get3A_83 = arith.constant 0 : index
    %get3A_84 = memref.load %arg2[%get3A_82, %get3A_83] : memref<5x2xf32, #tpu.memory_space<smem>>
    %mul3A_85 = vector.broadcast %get3A_84 : f32 to vector<2304x64xf32>
    %mul3A_86 = arith.mulf %convert_element_type3A_81, %mul3A_85 : vector<2304x64xf32>
    %add3A_87 = arith.addf %add3A_68, %mul3A_86 : vector<2304x64xf32>
    %get3A_88 = arith.constant 4 : index
    %get3A_89 = arith.constant 1 : index
    %get3A_90 = memref.load %arg2[%get3A_88, %get3A_89] : memref<5x2xf32, #tpu.memory_space<smem>>
    %mul3A_91 = vector.broadcast %get3A_90 : f32 to vector<2304x64xf32>
    %mul3A_92 = arith.mulf %convert_element_type3A_81, %mul3A_91 : vector<2304x64xf32>
    %add3A_93 = arith.addf %add3A_74, %mul3A_92 : vector<2304x64xf32>
    %swap3A = arith.constant 0 : index
    %swap3A_94 = arith.constant 0 : index
    %swap3A_95 = vector.load %arg9[%swap3A, %swap3A_94] : memref<2304x64xf32, #tpu.memory_space<vmem>>, vector<2304x64xf32>
    tpu.vector_store %arg9[%swap3A, %swap3A_94], %add3A_87 {strides = array<i32>} : memref<2304x64xf32, #tpu.memory_space<vmem>>, vector<2304x64xf32>,
    %swap3A_96 = arith.constant 0 : index
    %swap3A_97 = arith.constant 0 : index
    %swap3A_98 = vector.load %arg10[%swap3A_96, %swap3A_97] : memref<2304x64xf32, #tpu.memory_space<vmem>>, vector<2304x64xf32>
    tpu.vector_store %arg10[%swap3A_96, %swap3A_97], %add3A_93 {strides = array<i32>} : memref<2304x64xf32, #tpu.memory_space<vmem>>, vector<2304x64xf32>,
    %broadcast_in_dim3A_99 = arith.constant 0.000000e+00 : f32
    %broadcast_in_dim3A_100 = vector.broadcast %broadcast_in_dim3A_99 : f32 to vector<1x64xf32>
    %swap3A_101 = arith.constant 0 : index
    %swap3A_102 = arith.constant 0 : index
    %swap3A_103 = vector.load %arg7[%swap3A_101, %swap3A_102] : memref<2304x64xf32, #tpu.memory_space<vmem>>, vector<1x64xf32>
    tpu.vector_store %arg7[%swap3A_101, %swap3A_102], %broadcast_in_dim3A_100 {strides = array<i32>} : memref<2304x64xf32, #tpu.memory_space<vmem>>, vector<1x64xf32>,
    %broadcast_in_dim3A_104 = arith.constant 0.000000e+00 : f32
    %broadcast_in_dim3A_105 = vector.broadcast %broadcast_in_dim3A_104 : f32 to vector<1x64xf32>
    %swap3A_106 = arith.constant 0 : index
    %swap3A_107 = arith.constant 0 : index
    %swap3A_108 = vector.load %arg8[%swap3A_106, %swap3A_107] : memref<2304x64xf32, #tpu.memory_space<vmem>>, vector<1x64xf32>
    tpu.vector_store %arg8[%swap3A_106, %swap3A_107], %broadcast_in_dim3A_105 {strides = array<i32>} : memref<2304x64xf32, #tpu.memory_space<vmem>>, vector<1x64xf32>,
    %broadcast_in_dim3A_109 = arith.constant 0.000000e+00 : f32
    %broadcast_in_dim3A_110 = vector.broadcast %broadcast_in_dim3A_109 : f32 to vector<1x64xf32>
    %broadcast_in_dim3A_111 = arith.constant 0.000000e+00 : f32
    %broadcast_in_dim3A_112 = vector.broadcast %broadcast_in_dim3A_111 : f32 to vector<1x64xf32>
    %scan3A = arith.constant 1 : i32
    %scan3A_113 = arith.constant 2303 : i32
    %scan3A_114 = arith.addi %scan3A, %scan3A_113 : i32
    %scan3A_115 = arith.constant 1 : i32
    %scan3A_116:2 = scf.for %scan3A_118 = %scan3A to %scan3A_114 step %scan3A_115 iter_args(%scan3A_119 = %broadcast_in_dim3A_110, %scan3A_120 = %broadcast_in_dim3A_112) -> (vector<1x64xf32>, vector<1x64xf32>)  : i32 {
      %get3A_121 = arith.index_cast %scan3A_118 : i32 to index
      %get3A_122 = arith.constant 0 : index
      %get3A_123 = vector.load %arg9[%get3A_121, %get3A_122] : memref<2304x64xf32, #tpu.memory_space<vmem>>, vector<1x64xf32>
      %get3A_124 = arith.index_cast %scan3A_118 : i32 to index
      %get3A_125 = arith.constant 0 : index
      %get3A_126 = vector.load %arg10[%get3A_124, %get3A_125] : memref<2304x64xf32, #tpu.memory_space<vmem>>, vector<1x64xf32>
      %add3A_127 = arith.addf %scan3A_119, %get3A_123 : vector<1x64xf32>
      %add3A_128 = arith.addf %scan3A_120, %get3A_126 : vector<1x64xf32>
      %concatenate3A = tpu.concatenate %add3A_127, %add3A_128 in 0 : vector<1x64xf32>, vector<1x64xf32> -> vector<2x64xf32>
      %get3A_129 = arith.constant 0 : index
      %get3A_130 = arith.constant 0 : index
      %get3A_131 = vector.load %arg3[%get3A_129, %get3A_130] : memref<2x10xf32, #tpu.memory_space<vmem>>, vector<2x10xf32>
      %transpose3A = tpu.transpose %get3A_131, [1, 0] : vector<2x10xf32> -> vector<10x2xf32>
      %dot_general3A = arith.constant dense<0.000000e+00> : vector<10x64xf32>
      %dot_general3A_132 = tpu.matmul %transpose3A, %concatenate3A, %dot_general3A {dimension_numbers = #tpu.dot_dimension_numbers<[1], [0], [0], [1], [0, 0, 1, 1], [], []>, transpose_lhs_hint = false} : vector<10x2xf32>, vector<2x64xf32>, vector<10x64xf32> -> vector<10x64xf32>
      %get3A_133 = arith.constant 0 : index
      %get3A_134 = arith.constant 0 : index
      %get3A_135 = vector.load %arg4[%get3A_133, %get3A_134] : memref<1x10xf32, #tpu.memory_space<vmem>>, vector<1x10xf32>
      %transpose3A_136 = tpu.transpose %get3A_135, [1, 0] : vector<1x10xf32> -> vector<10x1xf32>
      %add3A_137 = vector.broadcast %transpose3A_136 : vector<10x1xf32> to vector<10x64xf32>
      %add3A_138 = arith.addf %dot_general3A_132, %add3A_137 : vector<10x64xf32>
      %tanh3A = math.tanh %add3A_138 : vector<10x64xf32>
      %get3A_139 = arith.constant 0 : index
      %get3A_140 = arith.constant 0 : index
      %get3A_141 = vector.load %arg5[%get3A_139, %get3A_140] : memref<10x2xf32, #tpu.memory_space<vmem>>, vector<10x2xf32>
      %transpose3A_142 = tpu.transpose %get3A_141, [1, 0] : vector<10x2xf32> -> vector<2x10xf32>
      %dot_general3A_143 = arith.constant dense<0.000000e+00> : vector<2x64xf32>
      %dot_general3A_144 = tpu.matmul %transpose3A_142, %tanh3A, %dot_general3A_143 {dimension_numbers = #tpu.dot_dimension_numbers<[1], [0], [0], [1], [0, 0, 1, 1], [], []>, transpose_lhs_hint = false} : vector<2x10xf32>, vector<10x64xf32>, vector<2x64xf32> -> vector<2x64xf32>
      %get3A_145 = arith.constant 0 : index
      %get3A_146 = arith.constant 0 : index
      %get3A_147 = vector.load %arg6[%get3A_145, %get3A_146] : memref<1x2xf32, #tpu.memory_space<vmem>>, vector<1x2xf32>
      %transpose3A_148 = tpu.transpose %get3A_147, [1, 0] : vector<1x2xf32> -> vector<2x1xf32>
      %add3A_149 = vector.broadcast %transpose3A_148 : vector<2x1xf32> to vector<2x64xf32>
      %add3A_150 = arith.addf %dot_general3A_144, %add3A_149 : vector<2x64xf32>
      %logistic3A = arith.negf %add3A_150 : vector<2x64xf32>
      %logistic3A_151 = math.exp %logistic3A : vector<2x64xf32>
      %logistic3A_152 = arith.constant 1.000000e+00 : f32
      %logistic3A_153 = vector.broadcast %logistic3A_152 : f32 to vector<2x64xf32>
      %logistic3A_154 = arith.addf %logistic3A_153, %logistic3A_151 : vector<2x64xf32>
      %logistic3A_155 = arith.divf %logistic3A_153, %logistic3A_154 : vector<2x64xf32>
      %slice3A = vector.extract_strided_slice %logistic3A_155 {offsets = [0, 0], sizes = [1, 64], strides = [1, 1]} : vector<2x64xf32> to vector<1x64xf32>
      %mul3A_156 = arith.mulf %get3A_123, %slice3A : vector<1x64xf32>
      %add3A_157 = arith.addf %scan3A_119, %mul3A_156 : vector<1x64xf32>
      %slice3A_158 = vector.extract_strided_slice %logistic3A_155 {offsets = [1, 0], sizes = [1, 64], strides = [1, 1]} : vector<2x64xf32> to vector<1x64xf32>
      %mul3A_159 = arith.mulf %get3A_126, %slice3A_158 : vector<1x64xf32>
      %add3A_160 = arith.addf %scan3A_120, %mul3A_159 : vector<1x64xf32>
      %swap3A_161 = arith.index_cast %scan3A_118 : i32 to index
      %swap3A_162 = arith.constant 0 : index
      %swap3A_163 = vector.load %arg7[%swap3A_161, %swap3A_162] : memref<2304x64xf32, #tpu.memory_space<vmem>>, vector<1x64xf32>
      tpu.vector_store %arg7[%swap3A_161, %swap3A_162], %add3A_157 {strides = array<i32>} : memref<2304x64xf32, #tpu.memory_space<vmem>>, vector<1x64xf32>,
      %swap3A_164 = arith.index_cast %scan3A_118 : i32 to index
      %swap3A_165 = arith.constant 0 : index
      %swap3A_166 = vector.load %arg8[%swap3A_164, %swap3A_165] : memref<2304x64xf32, #tpu.memory_space<vmem>>, vector<1x64xf32>
      tpu.vector_store %arg8[%swap3A_164, %swap3A_165], %add3A_160 {strides = array<i32>} : memref<2304x64xf32, #tpu.memory_space<vmem>>, vector<1x64xf32>,
      scf.yield %add3A_157, %add3A_160 : vector<1x64xf32>, vector<1x64xf32>
    }
    %scan3A_117 = arith.constant 2303 : i32
    return
  }
  func.func @transform_0(%arg0: i32) -> (i32, i32, i32) {
    %c0_i32 = arith.constant 0 : i32
    %c0_i32_0 = arith.constant 0 : i32
    %c0_i32_1 = arith.constant 0 : i32
    %c0_i32_2 = arith.constant 0 : i32
    return %c0_i32, %c0_i32_0, %c0_i32_1 : i32, i32, i32
  }
  func.func @transform_1(%arg0: i32) -> (i32, i32) {
    %c0_i32 = arith.constant 0 : i32
    %c0_i32_0 = arith.constant 0 : i32
    %c0_i32_1 = arith.constant 0 : i32
    return %c0_i32, %c0_i32_0 : i32, i32
  }
  func.func @transform_2(%arg0: i32) -> (i32, i32) {
    %c0_i32 = arith.constant 0 : i32
    %c0_i32_0 = arith.constant 0 : i32
    %c0_i32_1 = arith.constant 0 : i32
    return %c0_i32, %c0_i32_0 : i32, i32
  }
  func.func @transform_3(%arg0: i32) -> (i32, i32) {
    %c0_i32 = arith.constant 0 : i32
    %c0_i32_0 = arith.constant 0 : i32
    %c0_i32_1 = arith.constant 0 : i32
    return %c0_i32, %c0_i32_0 : i32, i32
  }
  func.func @transform_4(%arg0: i32) -> (i32, i32) {
    %c0_i32 = arith.constant 0 : i32
    %c0_i32_0 = arith.constant 0 : i32
    %c0_i32_1 = arith.constant 0 : i32
    return %c0_i32, %c0_i32_0 : i32, i32
  }
  func.func @transform_5(%arg0: i32) -> (i32, i32) {
    %c0_i32 = arith.constant 0 : i32
    %c0_i32_0 = arith.constant 0 : i32
    %c0_i32_1 = arith.constant 0 : i32
    return %c0_i32, %c0_i32_0 : i32, i32
  }
  func.func @transform_6(%arg0: i32) -> (i32, i32) {
    %c0_i32 = arith.constant 0 : i32
    %c0_i32_0 = arith.constant 0 : i32
    %c0_i32_1 = arith.constant 0 : i32
    return %c0_i32, %c0_i32_0 : i32, i32
  }
  func.func @transform_7(%arg0: i32) -> (i32, i32) {
    %c0_i32 = arith.constant 0 : i32
    %c0_i32_0 = arith.constant 0 : i32
    %c0_i32_1 = arith.constant 0 : i32
    return %c0_i32, %c0_i32_0 : i32, i32
  }
}

module attributes {stable_mosaic.version = 14 : i64} {
  func.func @_enc_kernel(%arg0: i32, %arg1: memref<1024x192xf32, #tpu.memory_space<vmem>>, %arg2: memref<192x512xf32, #tpu.memory_space<vmem>>, %arg3: memref<1x512xf32, #tpu.memory_space<vmem>>, %arg4: memref<512x32xf32, #tpu.memory_space<vmem>>, %arg5: memref<1x32xf32, #tpu.memory_space<vmem>>, %arg6: memref<1024x32xf32, #tpu.memory_space<vmem>>) attributes {dimension_semantics = [#tpu.dimension_semantics<arbitrary>], iteration_bounds = array<i64: 128>, scalar_prefetch = 0 : i64, scratch_operands = 0 : i64, tpu.core_type = #tpu.core_type<tc>, window_params = [{transform_indices = @transform_0, window_bounds = array<i64: 1024, 192>}, {pipeline_mode = #tpu.pipeline_mode<synchronous>, transform_indices = @transform_1, window_bounds = array<i64: 192, 512>}, {pipeline_mode = #tpu.pipeline_mode<synchronous>, transform_indices = @transform_2, window_bounds = array<i64: 1, 512>}, {pipeline_mode = #tpu.pipeline_mode<synchronous>, transform_indices = @transform_3, window_bounds = array<i64: 512, 32>}, {pipeline_mode = #tpu.pipeline_mode<synchronous>, transform_indices = @transform_4, window_bounds = array<i64: 1, 32>}, {transform_indices = @transform_5, window_bounds = array<i64: 1024, 32>}]} {
    %get3A = arith.constant 0 : index
    %get3A_0 = arith.constant 0 : index
    %get3A_1 = vector.load %arg1[%get3A, %get3A_0] : memref<1024x192xf32, #tpu.memory_space<vmem>>, vector<1024x192xf32>
    %mul3A = arith.constant 2.000000e+00 : f32
    %mul3A_2 = vector.broadcast %mul3A : f32 to vector<1024x192xf32>
    %mul3A_3 = arith.mulf %get3A_1, %mul3A_2 : vector<1024x192xf32>
    %sub3A = arith.constant 1.000000e+00 : f32
    %sub3A_4 = vector.broadcast %sub3A : f32 to vector<1024x192xf32>
    %sub3A_5 = arith.subf %mul3A_3, %sub3A_4 : vector<1024x192xf32>
    %get3A_6 = arith.constant 0 : index
    %get3A_7 = arith.constant 0 : index
    %get3A_8 = vector.load %arg2[%get3A_6, %get3A_7] : memref<192x512xf32, #tpu.memory_space<vmem>>, vector<192x512xf32>
    %dot_general3A = arith.constant dense<0.000000e+00> : vector<1024x512xf32>
    %dot_general3A_9 = tpu.matmul %sub3A_5, %get3A_8, %dot_general3A {dimension_numbers = #tpu.dot_dimension_numbers<[1], [0], [0], [1], [0, 0, 1, 1], [], []>, transpose_lhs_hint = false} : vector<1024x192xf32>, vector<192x512xf32>, vector<1024x512xf32> -> vector<1024x512xf32>
    %get3A_10 = arith.constant 0 : index
    %get3A_11 = arith.constant 0 : index
    %get3A_12 = vector.load %arg3[%get3A_10, %get3A_11] : memref<1x512xf32, #tpu.memory_space<vmem>>, vector<1x512xf32>
    %add3A = vector.broadcast %get3A_12 : vector<1x512xf32> to vector<1024x512xf32>
    %add3A_13 = arith.addf %dot_general3A_9, %add3A : vector<1024x512xf32>
    %tanh3A = math.tanh %add3A_13 : vector<1024x512xf32>
    %get3A_14 = arith.constant 0 : index
    %get3A_15 = arith.constant 0 : index
    %get3A_16 = vector.load %arg4[%get3A_14, %get3A_15] : memref<512x32xf32, #tpu.memory_space<vmem>>, vector<512x32xf32>
    %dot_general3A_17 = arith.constant dense<0.000000e+00> : vector<1024x32xf32>
    %dot_general3A_18 = tpu.matmul %tanh3A, %get3A_16, %dot_general3A_17 {dimension_numbers = #tpu.dot_dimension_numbers<[1], [0], [0], [1], [0, 0, 1, 1], [], []>, transpose_lhs_hint = false} : vector<1024x512xf32>, vector<512x32xf32>, vector<1024x32xf32> -> vector<1024x32xf32>
    %get3A_19 = arith.constant 0 : index
    %get3A_20 = arith.constant 0 : index
    %get3A_21 = vector.load %arg5[%get3A_19, %get3A_20] : memref<1x32xf32, #tpu.memory_space<vmem>>, vector<1x32xf32>
    %add3A_22 = vector.broadcast %get3A_21 : vector<1x32xf32> to vector<1024x32xf32>
    %add3A_23 = arith.addf %dot_general3A_18, %add3A_22 : vector<1024x32xf32>
    %iota3A = tpu.iota {dimensions = array<i32: 1>} : vector<1024x32xi32>
    %lt3A = arith.constant 16 : i32
    %lt3A_24 = vector.broadcast %lt3A : i32 to vector<1024x32xi32>
    %lt3A_25 = arith.cmpi slt, %iota3A, %lt3A_24 : vector<1024x32xi32>
    %exp3A = math.exp %add3A_23 : vector<1024x32xf32>
    %select_n3A = arith.select %lt3A_25, %add3A_23, %exp3A : vector<1024x32xi1>, vector<1024x32xf32>
    %swap3A = arith.constant 0 : index
    %swap3A_26 = arith.constant 0 : index
    %swap3A_27 = vector.load %arg6[%swap3A, %swap3A_26] : memref<1024x32xf32, #tpu.memory_space<vmem>>, vector<1024x32xf32>
    tpu.vector_store %arg6[%swap3A, %swap3A_26], %select_n3A {strides = array<i32>} : memref<1024x32xf32, #tpu.memory_space<vmem>>, vector<1024x32xf32>,
    return
  }
  func.func @transform_0(%arg0: i32) -> (i32, i32) {
    %c0_i32 = arith.constant 0 : i32
    %c0_i32_0 = arith.constant 0 : i32
    return %arg0, %c0_i32 : i32, i32
  }
  func.func @transform_1(%arg0: i32) -> (i32, i32) {
    %c0_i32 = arith.constant 0 : i32
    %c0_i32_0 = arith.constant 0 : i32
    %c0_i32_1 = arith.constant 0 : i32
    return %c0_i32, %c0_i32_0 : i32, i32
  }
  func.func @transform_2(%arg0: i32) -> (i32, i32) {
    %c0_i32 = arith.constant 0 : i32
    %c0_i32_0 = arith.constant 0 : i32
    %c0_i32_1 = arith.constant 0 : i32
    return %c0_i32, %c0_i32_0 : i32, i32
  }
  func.func @transform_3(%arg0: i32) -> (i32, i32) {
    %c0_i32 = arith.constant 0 : i32
    %c0_i32_0 = arith.constant 0 : i32
    %c0_i32_1 = arith.constant 0 : i32
    return %c0_i32, %c0_i32_0 : i32, i32
  }
  func.func @transform_4(%arg0: i32) -> (i32, i32) {
    %c0_i32 = arith.constant 0 : i32
    %c0_i32_0 = arith.constant 0 : i32
    %c0_i32_1 = arith.constant 0 : i32
    return %c0_i32, %c0_i32_0 : i32, i32
  }
  func.func @transform_5(%arg0: i32) -> (i32, i32) {
    %c0_i32 = arith.constant 0 : i32
    %c0_i32_0 = arith.constant 0 : i32
    return %arg0, %c0_i32 : i32, i32
  }
}

module attributes {stable_mosaic.version = 14 : i64} {
  func.func @_knn_kernel(%arg0: i32, %arg1: memref<1x256x2xf32, #tpu.memory_space<vmem>>, %arg2: memref<1x2x2048xf32, #tpu.memory_space<vmem>>, %arg3: memref<1x2048x32xf32, #tpu.memory_space<vmem>>, %arg4: memref<1x256x32xf32, #tpu.memory_space<vmem>>) attributes {dimension_semantics = [#tpu.dimension_semantics<arbitrary>], iteration_bounds = array<i64: 64>, scalar_prefetch = 0 : i64, scratch_operands = 0 : i64, tpu.core_type = #tpu.core_type<tc>, window_params = [{transform_indices = @transform_0, window_bounds = array<i64: 1, 256, 2>}, {transform_indices = @transform_1, window_bounds = array<i64: 1, 2, 2048>}, {transform_indices = @transform_2, window_bounds = array<i64: 1, 2048, 32>}, {transform_indices = @transform_3, window_bounds = array<i64: 1, 256, 32>}]} {
    %get3A = arith.constant 0 : index
    %get3A_0 = arith.constant 0 : index
    %get3A_1 = arith.constant 0 : index
    %get3A_2 = vector.load %arg1[%get3A, %get3A_0, %get3A_1] : memref<1x256x2xf32, #tpu.memory_space<vmem>>, vector<1x256x2xf32>
    %get3A_3 = vector.shape_cast %get3A_2 : vector<1x256x2xf32> to vector<256x2xf32>
    %get3A_4 = arith.constant 0 : index
    %get3A_5 = arith.constant 0 : index
    %get3A_6 = arith.constant 0 : index
    %get3A_7 = vector.load %arg2[%get3A_4, %get3A_5, %get3A_6] : memref<1x2x2048xf32, #tpu.memory_space<vmem>>, vector<1x2x2048xf32>
    %get3A_8 = vector.shape_cast %get3A_7 : vector<1x2x2048xf32> to vector<2x2048xf32>
    %slice3A = vector.extract_strided_slice %get3A_3 {offsets = [0, 0], sizes = [256, 1], strides = [1, 1]} : vector<256x2xf32> to vector<256x1xf32>
    %slice3A_9 = vector.extract_strided_slice %get3A_3 {offsets = [0, 1], sizes = [256, 1], strides = [1, 1]} : vector<256x2xf32> to vector<256x1xf32>
    %slice3A_10 = vector.extract_strided_slice %get3A_8 {offsets = [0, 0], sizes = [1, 2048], strides = [1, 1]} : vector<2x2048xf32> to vector<1x2048xf32>
    %slice3A_11 = vector.extract_strided_slice %get3A_8 {offsets = [1, 0], sizes = [1, 2048], strides = [1, 1]} : vector<2x2048xf32> to vector<1x2048xf32>
    %sub3A = vector.broadcast %slice3A : vector<256x1xf32> to vector<256x2048xf32>
    %sub3A_12 = vector.broadcast %slice3A_10 : vector<1x2048xf32> to vector<256x2048xf32>
    %sub3A_13 = arith.subf %sub3A, %sub3A_12 : vector<256x2048xf32>
    %sub3A_14 = vector.broadcast %slice3A_9 : vector<256x1xf32> to vector<256x2048xf32>
    %sub3A_15 = vector.broadcast %slice3A_11 : vector<1x2048xf32> to vector<256x2048xf32>
    %sub3A_16 = arith.subf %sub3A_14, %sub3A_15 : vector<256x2048xf32>
    %mul3A = arith.mulf %sub3A_13, %sub3A_13 : vector<256x2048xf32>
    %mul3A_17 = arith.mulf %sub3A_16, %sub3A_16 : vector<256x2048xf32>
    %add3A = arith.addf %mul3A, %mul3A_17 : vector<256x2048xf32>
    %iota3A = tpu.iota {dimensions = array<i32: 1>} : vector<256x2048xi32>
    %broadcast_in_dim3A = arith.constant 0.000000e+00 : f32
    %broadcast_in_dim3A_18 = vector.broadcast %broadcast_in_dim3A : f32 to vector<256x2048xf32>
    %broadcast_in_dim3A_19 = arith.constant 0.000000e+00 : f32
    %broadcast_in_dim3A_20 = vector.broadcast %broadcast_in_dim3A_19 : f32 to vector<256x1xf32>
    %reduce_min3A = arith.constant dense<0x7F800000> : vector<256xf32>
    %reduce_min3A_21 = vector.multi_reduction <minimumf>, %add3A, %reduce_min3A [1] : vector<256x2048xf32> to vector<256xf32>
    %broadcast_in_dim3A_22 = vector.shape_cast %reduce_min3A_21 : vector<256xf32> to vector<256x1xf32>
    %le3A = vector.broadcast %broadcast_in_dim3A_22 : vector<256x1xf32> to vector<256x2048xf32>
    %le3A_23 = arith.cmpf ole, %add3A, %le3A : vector<256x2048xf32>
    %jit3A = arith.constant 2048 : i32
    %broadcast_in_dim3A_24 = vector.broadcast %jit3A : i32 to vector<256x2048xi32>
    %select_n3A = arith.select %le3A_23, %iota3A, %broadcast_in_dim3A_24 : vector<256x2048xi1>, vector<256x2048xi32>
    %reduce_min3A_25 = arith.constant dense<2147483647> : vector<256xi32>
    %reduce_min3A_26 = vector.multi_reduction <minsi>, %select_n3A, %reduce_min3A_25 [1] : vector<256x2048xi32> to vector<256xi32>
    %broadcast_in_dim3A_27 = vector.shape_cast %reduce_min3A_26 : vector<256xi32> to vector<256x1xi32>
    %eq3A = vector.broadcast %broadcast_in_dim3A_27 : vector<256x1xi32> to vector<256x2048xi32>
    %eq3A_28 = arith.cmpi eq, %iota3A, %eq3A : vector<256x2048xi32>
    %add3A_29 = arith.constant 9.99999974E-5 : f32
    %add3A_30 = vector.broadcast %add3A_29 : f32 to vector<256x1xf32>
    %add3A_31 = arith.addf %broadcast_in_dim3A_22, %add3A_30 : vector<256x1xf32>
    %div3A = arith.constant 1.000000e+00 : f32
    %div3A_32 = vector.broadcast %div3A : f32 to vector<256x1xf32>
    %div3A_33 = arith.divf %div3A_32, %add3A_31 : vector<256x1xf32>
    %jit3A_34 = arith.constant 0.000000e+00 : f32
    %broadcast_in_dim3A_35 = vector.shape_cast %div3A_33 : vector<256x1xf32> to vector<256x1xf32>
    %broadcast_in_dim3A_36 = vector.broadcast %broadcast_in_dim3A_35 : vector<256x1xf32> to vector<256x2048xf32>
    %broadcast_in_dim3A_37 = vector.broadcast %jit3A_34 : f32 to vector<256x2048xf32>
    %select_n3A_38 = arith.select %eq3A_28, %broadcast_in_dim3A_36, %broadcast_in_dim3A_37 : vector<256x2048xi1>, vector<256x2048xf32>
    %add3A_39 = arith.addf %broadcast_in_dim3A_18, %select_n3A_38 : vector<256x2048xf32>
    %add3A_40 = arith.addf %broadcast_in_dim3A_20, %div3A_33 : vector<256x1xf32>
    %jit3A_41 = arith.constant 1.000000e+30 : f32
    %broadcast_in_dim3A_42 = vector.broadcast %jit3A_41 : f32 to vector<256x2048xf32>
    %select_n3A_43 = arith.select %eq3A_28, %broadcast_in_dim3A_42, %add3A : vector<256x2048xi1>, vector<256x2048xf32>
    %reduce_min3A_44 = arith.constant dense<0x7F800000> : vector<256xf32>
    %reduce_min3A_45 = vector.multi_reduction <minimumf>, %select_n3A_43, %reduce_min3A_44 [1] : vector<256x2048xf32> to vector<256xf32>
    %broadcast_in_dim3A_46 = vector.shape_cast %reduce_min3A_45 : vector<256xf32> to vector<256x1xf32>
    %le3A_47 = vector.broadcast %broadcast_in_dim3A_46 : vector<256x1xf32> to vector<256x2048xf32>
    %le3A_48 = arith.cmpf ole, %select_n3A_43, %le3A_47 : vector<256x2048xf32>
    %jit3A_49 = arith.constant 2048 : i32
    %broadcast_in_dim3A_50 = vector.broadcast %jit3A_49 : i32 to vector<256x2048xi32>
    %select_n3A_51 = arith.select %le3A_48, %iota3A, %broadcast_in_dim3A_50 : vector<256x2048xi1>, vector<256x2048xi32>
    %reduce_min3A_52 = arith.constant dense<2147483647> : vector<256xi32>
    %reduce_min3A_53 = vector.multi_reduction <minsi>, %select_n3A_51, %reduce_min3A_52 [1] : vector<256x2048xi32> to vector<256xi32>
    %broadcast_in_dim3A_54 = vector.shape_cast %reduce_min3A_53 : vector<256xi32> to vector<256x1xi32>
    %eq3A_55 = vector.broadcast %broadcast_in_dim3A_54 : vector<256x1xi32> to vector<256x2048xi32>
    %eq3A_56 = arith.cmpi eq, %iota3A, %eq3A_55 : vector<256x2048xi32>
    %add3A_57 = arith.constant 9.99999974E-5 : f32
    %add3A_58 = vector.broadcast %add3A_57 : f32 to vector<256x1xf32>
    %add3A_59 = arith.addf %broadcast_in_dim3A_46, %add3A_58 : vector<256x1xf32>
    %div3A_60 = arith.constant 1.000000e+00 : f32
    %div3A_61 = vector.broadcast %div3A_60 : f32 to vector<256x1xf32>
    %div3A_62 = arith.divf %div3A_61, %add3A_59 : vector<256x1xf32>
    %jit3A_63 = arith.constant 0.000000e+00 : f32
    %broadcast_in_dim3A_64 = vector.shape_cast %div3A_62 : vector<256x1xf32> to vector<256x1xf32>
    %broadcast_in_dim3A_65 = vector.broadcast %broadcast_in_dim3A_64 : vector<256x1xf32> to vector<256x2048xf32>
    %broadcast_in_dim3A_66 = vector.broadcast %jit3A_63 : f32 to vector<256x2048xf32>
    %select_n3A_67 = arith.select %eq3A_56, %broadcast_in_dim3A_65, %broadcast_in_dim3A_66 : vector<256x2048xi1>, vector<256x2048xf32>
    %add3A_68 = arith.addf %add3A_39, %select_n3A_67 : vector<256x2048xf32>
    %add3A_69 = arith.addf %add3A_40, %div3A_62 : vector<256x1xf32>
    %jit3A_70 = arith.constant 1.000000e+30 : f32
    %broadcast_in_dim3A_71 = vector.broadcast %jit3A_70 : f32 to vector<256x2048xf32>
    %select_n3A_72 = arith.select %eq3A_56, %broadcast_in_dim3A_71, %select_n3A_43 : vector<256x2048xi1>, vector<256x2048xf32>
    %reduce_min3A_73 = arith.constant dense<0x7F800000> : vector<256xf32>
    %reduce_min3A_74 = vector.multi_reduction <minimumf>, %select_n3A_72, %reduce_min3A_73 [1] : vector<256x2048xf32> to vector<256xf32>
    %broadcast_in_dim3A_75 = vector.shape_cast %reduce_min3A_74 : vector<256xf32> to vector<256x1xf32>
    %le3A_76 = vector.broadcast %broadcast_in_dim3A_75 : vector<256x1xf32> to vector<256x2048xf32>
    %le3A_77 = arith.cmpf ole, %select_n3A_72, %le3A_76 : vector<256x2048xf32>
    %jit3A_78 = arith.constant 2048 : i32
    %broadcast_in_dim3A_79 = vector.broadcast %jit3A_78 : i32 to vector<256x2048xi32>
    %select_n3A_80 = arith.select %le3A_77, %iota3A, %broadcast_in_dim3A_79 : vector<256x2048xi1>, vector<256x2048xi32>
    %reduce_min3A_81 = arith.constant dense<2147483647> : vector<256xi32>
    %reduce_min3A_82 = vector.multi_reduction <minsi>, %select_n3A_80, %reduce_min3A_81 [1] : vector<256x2048xi32> to vector<256xi32>
    %broadcast_in_dim3A_83 = vector.shape_cast %reduce_min3A_82 : vector<256xi32> to vector<256x1xi32>
    %eq3A_84 = vector.broadcast %broadcast_in_dim3A_83 : vector<256x1xi32> to vector<256x2048xi32>
    %eq3A_85 = arith.cmpi eq, %iota3A, %eq3A_84 : vector<256x2048xi32>
    %add3A_86 = arith.constant 9.99999974E-5 : f32
    %add3A_87 = vector.broadcast %add3A_86 : f32 to vector<256x1xf32>
    %add3A_88 = arith.addf %broadcast_in_dim3A_75, %add3A_87 : vector<256x1xf32>
    %div3A_89 = arith.constant 1.000000e+00 : f32
    %div3A_90 = vector.broadcast %div3A_89 : f32 to vector<256x1xf32>
    %div3A_91 = arith.divf %div3A_90, %add3A_88 : vector<256x1xf32>
    %jit3A_92 = arith.constant 0.000000e+00 : f32
    %broadcast_in_dim3A_93 = vector.shape_cast %div3A_91 : vector<256x1xf32> to vector<256x1xf32>
    %broadcast_in_dim3A_94 = vector.broadcast %broadcast_in_dim3A_93 : vector<256x1xf32> to vector<256x2048xf32>
    %broadcast_in_dim3A_95 = vector.broadcast %jit3A_92 : f32 to vector<256x2048xf32>
    %select_n3A_96 = arith.select %eq3A_85, %broadcast_in_dim3A_94, %broadcast_in_dim3A_95 : vector<256x2048xi1>, vector<256x2048xf32>
    %add3A_97 = arith.addf %add3A_68, %select_n3A_96 : vector<256x2048xf32>
    %add3A_98 = arith.addf %add3A_69, %div3A_91 : vector<256x1xf32>
    %jit3A_99 = arith.constant 1.000000e+30 : f32
    %broadcast_in_dim3A_100 = vector.broadcast %jit3A_99 : f32 to vector<256x2048xf32>
    %select_n3A_101 = arith.select %eq3A_85, %broadcast_in_dim3A_100, %select_n3A_72 : vector<256x2048xi1>, vector<256x2048xf32>
    %reduce_min3A_102 = arith.constant dense<0x7F800000> : vector<256xf32>
    %reduce_min3A_103 = vector.multi_reduction <minimumf>, %select_n3A_101, %reduce_min3A_102 [1] : vector<256x2048xf32> to vector<256xf32>
    %broadcast_in_dim3A_104 = vector.shape_cast %reduce_min3A_103 : vector<256xf32> to vector<256x1xf32>
    %le3A_105 = vector.broadcast %broadcast_in_dim3A_104 : vector<256x1xf32> to vector<256x2048xf32>
    %le3A_106 = arith.cmpf ole, %select_n3A_101, %le3A_105 : vector<256x2048xf32>
    %jit3A_107 = arith.constant 2048 : i32
    %broadcast_in_dim3A_108 = vector.broadcast %jit3A_107 : i32 to vector<256x2048xi32>
    %select_n3A_109 = arith.select %le3A_106, %iota3A, %broadcast_in_dim3A_108 : vector<256x2048xi1>, vector<256x2048xi32>
    %reduce_min3A_110 = arith.constant dense<2147483647> : vector<256xi32>
    %reduce_min3A_111 = vector.multi_reduction <minsi>, %select_n3A_109, %reduce_min3A_110 [1] : vector<256x2048xi32> to vector<256xi32>
    %broadcast_in_dim3A_112 = vector.shape_cast %reduce_min3A_111 : vector<256xi32> to vector<256x1xi32>
    %eq3A_113 = vector.broadcast %broadcast_in_dim3A_112 : vector<256x1xi32> to vector<256x2048xi32>
    %eq3A_114 = arith.cmpi eq, %iota3A, %eq3A_113 : vector<256x2048xi32>
    %add3A_115 = arith.constant 9.99999974E-5 : f32
    %add3A_116 = vector.broadcast %add3A_115 : f32 to vector<256x1xf32>
    %add3A_117 = arith.addf %broadcast_in_dim3A_104, %add3A_116 : vector<256x1xf32>
    %div3A_118 = arith.constant 1.000000e+00 : f32
    %div3A_119 = vector.broadcast %div3A_118 : f32 to vector<256x1xf32>
    %div3A_120 = arith.divf %div3A_119, %add3A_117 : vector<256x1xf32>
    %jit3A_121 = arith.constant 0.000000e+00 : f32
    %broadcast_in_dim3A_122 = vector.shape_cast %div3A_120 : vector<256x1xf32> to vector<256x1xf32>
    %broadcast_in_dim3A_123 = vector.broadcast %broadcast_in_dim3A_122 : vector<256x1xf32> to vector<256x2048xf32>
    %broadcast_in_dim3A_124 = vector.broadcast %jit3A_121 : f32 to vector<256x2048xf32>
    %select_n3A_125 = arith.select %eq3A_114, %broadcast_in_dim3A_123, %broadcast_in_dim3A_124 : vector<256x2048xi1>, vector<256x2048xf32>
    %add3A_126 = arith.addf %add3A_97, %select_n3A_125 : vector<256x2048xf32>
    %add3A_127 = arith.addf %add3A_98, %div3A_120 : vector<256x1xf32>
    %jit3A_128 = arith.constant 1.000000e+30 : f32
    %broadcast_in_dim3A_129 = vector.broadcast %jit3A_128 : f32 to vector<256x2048xf32>
    %select_n3A_130 = arith.select %eq3A_114, %broadcast_in_dim3A_129, %select_n3A_101 : vector<256x2048xi1>, vector<256x2048xf32>
    %reduce_min3A_131 = arith.constant dense<0x7F800000> : vector<256xf32>
    %reduce_min3A_132 = vector.multi_reduction <minimumf>, %select_n3A_130, %reduce_min3A_131 [1] : vector<256x2048xf32> to vector<256xf32>
    %broadcast_in_dim3A_133 = vector.shape_cast %reduce_min3A_132 : vector<256xf32> to vector<256x1xf32>
    %le3A_134 = vector.broadcast %broadcast_in_dim3A_133 : vector<256x1xf32> to vector<256x2048xf32>
    %le3A_135 = arith.cmpf ole, %select_n3A_130, %le3A_134 : vector<256x2048xf32>
    %jit3A_136 = arith.constant 2048 : i32
    %broadcast_in_dim3A_137 = vector.broadcast %jit3A_136 : i32 to vector<256x2048xi32>
    %select_n3A_138 = arith.select %le3A_135, %iota3A, %broadcast_in_dim3A_137 : vector<256x2048xi1>, vector<256x2048xi32>
    %reduce_min3A_139 = arith.constant dense<2147483647> : vector<256xi32>
    %reduce_min3A_140 = vector.multi_reduction <minsi>, %select_n3A_138, %reduce_min3A_139 [1] : vector<256x2048xi32> to vector<256xi32>
    %broadcast_in_dim3A_141 = vector.shape_cast %reduce_min3A_140 : vector<256xi32> to vector<256x1xi32>
    %eq3A_142 = vector.broadcast %broadcast_in_dim3A_141 : vector<256x1xi32> to vector<256x2048xi32>
    %eq3A_143 = arith.cmpi eq, %iota3A, %eq3A_142 : vector<256x2048xi32>
    %add3A_144 = arith.constant 9.99999974E-5 : f32
    %add3A_145 = vector.broadcast %add3A_144 : f32 to vector<256x1xf32>
    %add3A_146 = arith.addf %broadcast_in_dim3A_133, %add3A_145 : vector<256x1xf32>
    %div3A_147 = arith.constant 1.000000e+00 : f32
    %div3A_148 = vector.broadcast %div3A_147 : f32 to vector<256x1xf32>
    %div3A_149 = arith.divf %div3A_148, %add3A_146 : vector<256x1xf32>
    %jit3A_150 = arith.constant 0.000000e+00 : f32
    %broadcast_in_dim3A_151 = vector.shape_cast %div3A_149 : vector<256x1xf32> to vector<256x1xf32>
    %broadcast_in_dim3A_152 = vector.broadcast %broadcast_in_dim3A_151 : vector<256x1xf32> to vector<256x2048xf32>
    %broadcast_in_dim3A_153 = vector.broadcast %jit3A_150 : f32 to vector<256x2048xf32>
    %select_n3A_154 = arith.select %eq3A_143, %broadcast_in_dim3A_152, %broadcast_in_dim3A_153 : vector<256x2048xi1>, vector<256x2048xf32>
    %add3A_155 = arith.addf %add3A_126, %select_n3A_154 : vector<256x2048xf32>
    %add3A_156 = arith.addf %add3A_127, %div3A_149 : vector<256x1xf32>
    %get3A_157 = arith.constant 0 : index
    %get3A_158 = arith.constant 0 : index
    %get3A_159 = arith.constant 0 : index
    %get3A_160 = vector.load %arg3[%get3A_157, %get3A_158, %get3A_159] : memref<1x2048x32xf32, #tpu.memory_space<vmem>>, vector<1x2048x32xf32>
    %get3A_161 = vector.shape_cast %get3A_160 : vector<1x2048x32xf32> to vector<2048x32xf32>
    %dot_general3A = arith.constant dense<0.000000e+00> : vector<256x32xf32>
    %dot_general3A_162 = tpu.matmul %add3A_155, %get3A_161, %dot_general3A {dimension_numbers = #tpu.dot_dimension_numbers<[1], [0], [0], [1], [0, 0, 1, 1], [], []>, transpose_lhs_hint = false} : vector<256x2048xf32>, vector<2048x32xf32>, vector<256x32xf32> -> vector<256x32xf32>
    %div3A_163 = vector.broadcast %add3A_156 : vector<256x1xf32> to vector<256x32xf32>
    %div3A_164 = arith.divf %dot_general3A_162, %div3A_163 : vector<256x32xf32>
    %swap3A = arith.constant 0 : index
    %swap3A_165 = arith.constant 0 : index
    %swap3A_166 = arith.constant 0 : index
    %swap3A_167 = vector.load %arg4[%swap3A, %swap3A_165, %swap3A_166] : memref<1x256x32xf32, #tpu.memory_space<vmem>>, vector<1x256x32xf32>
    %swap3A_168 = vector.shape_cast %swap3A_167 : vector<1x256x32xf32> to vector<256x32xf32>
    %swap3A_169 = vector.shape_cast %div3A_164 : vector<256x32xf32> to vector<1x256x32xf32>
    tpu.vector_store %arg4[%swap3A, %swap3A_165, %swap3A_166], %swap3A_169 {strides = array<i32>} : memref<1x256x32xf32, #tpu.memory_space<vmem>>, vector<1x256x32xf32>,
    return
  }
  func.func @transform_0(%arg0: i32) -> (i32, i32, i32) {
    %c0_i32 = arith.constant 0 : i32
    %c0_i32_0 = arith.constant 0 : i32
    %c0_i32_1 = arith.constant 0 : i32
    return %arg0, %c0_i32, %c0_i32_0 : i32, i32, i32
  }
  func.func @transform_1(%arg0: i32) -> (i32, i32, i32) {
    %c0_i32 = arith.constant 0 : i32
    %c0_i32_0 = arith.constant 0 : i32
    %c0_i32_1 = arith.constant 0 : i32
    return %arg0, %c0_i32, %c0_i32_0 : i32, i32, i32
  }
  func.func @transform_2(%arg0: i32) -> (i32, i32, i32) {
    %c0_i32 = arith.constant 0 : i32
    %c0_i32_0 = arith.constant 0 : i32
    %c0_i32_1 = arith.constant 0 : i32
    return %arg0, %c0_i32, %c0_i32_0 : i32, i32, i32
  }
  func.func @transform_3(%arg0: i32) -> (i32, i32, i32) {
    %c0_i32 = arith.constant 0 : i32
    %c0_i32_0 = arith.constant 0 : i32
    %c0_i32_1 = arith.constant 0 : i32
    return %arg0, %c0_i32, %c0_i32_0 : i32, i32, i32
  }
}

module attributes {stable_mosaic.version = 14 : i64} {
  func.func @_dec_kernel(%arg0: i32, %arg1: memref<64x64x32xf32, #tpu.memory_space<vmem>>, %arg2: memref<4096x16xf32, #tpu.memory_space<vmem>>, %arg3: memref<16x512xf32, #tpu.memory_space<vmem>>, %arg4: memref<1x512xf32, #tpu.memory_space<vmem>>, %arg5: memref<512x192xf32, #tpu.memory_space<vmem>>, %arg6: memref<1x192xf32, #tpu.memory_space<vmem>>, %arg7: memref<4096x192xf32, #tpu.memory_space<vmem>>) attributes {dimension_semantics = [#tpu.dimension_semantics<arbitrary>], iteration_bounds = array<i64: 4>, scalar_prefetch = 0 : i64, scratch_operands = 0 : i64, tpu.core_type = #tpu.core_type<tc>, window_params = [{transform_indices = @transform_0, window_bounds = array<i64: 64, 64, 32>}, {transform_indices = @transform_1, window_bounds = array<i64: 4096, 16>}, {pipeline_mode = #tpu.pipeline_mode<synchronous>, transform_indices = @transform_2, window_bounds = array<i64: 16, 512>}, {pipeline_mode = #tpu.pipeline_mode<synchronous>, transform_indices = @transform_3, window_bounds = array<i64: 1, 512>}, {pipeline_mode = #tpu.pipeline_mode<synchronous>, transform_indices = @transform_4, window_bounds = array<i64: 512, 192>}, {pipeline_mode = #tpu.pipeline_mode<synchronous>, transform_indices = @transform_5, window_bounds = array<i64: 1, 192>}, {transform_indices = @transform_6, window_bounds = array<i64: 4096, 192>}]} {
    %get3A = arith.constant 0 : index
    %get3A_0 = arith.constant 0 : index
    %get3A_1 = arith.constant 0 : index
    %get3A_2 = vector.load %arg1[%get3A, %get3A_0, %get3A_1] : memref<64x64x32xf32, #tpu.memory_space<vmem>>, vector<64x64x32xf32>
    %transpose3A = tpu.transpose %get3A_2, [1, 0, 2] : vector<64x64x32xf32> -> vector<64x64x32xf32>
    %reshape3A = vector.shape_cast %transpose3A : vector<64x64x32xf32> to vector<4096x32xf32>
    %slice3A = vector.extract_strided_slice %reshape3A {offsets = [0, 0], sizes = [4096, 16], strides = [1, 1]} : vector<4096x32xf32> to vector<4096x16xf32>
    %slice3A_3 = vector.extract_strided_slice %reshape3A {offsets = [0, 16], sizes = [4096, 16], strides = [1, 1]} : vector<4096x32xf32> to vector<4096x16xf32>
    %get3A_4 = arith.constant 0 : index
    %get3A_5 = arith.constant 0 : index
    %get3A_6 = vector.load %arg2[%get3A_4, %get3A_5] : memref<4096x16xf32, #tpu.memory_space<vmem>>, vector<4096x16xf32>
    %mul3A = arith.mulf %slice3A_3, %get3A_6 : vector<4096x16xf32>
    %add3A = arith.addf %slice3A, %mul3A : vector<4096x16xf32>
    %get3A_7 = arith.constant 0 : index
    %get3A_8 = arith.constant 0 : index
    %get3A_9 = vector.load %arg3[%get3A_7, %get3A_8] : memref<16x512xf32, #tpu.memory_space<vmem>>, vector<16x512xf32>
    %dot_general3A = arith.constant dense<0.000000e+00> : vector<4096x512xf32>
    %dot_general3A_10 = tpu.matmul %add3A, %get3A_9, %dot_general3A {dimension_numbers = #tpu.dot_dimension_numbers<[1], [0], [0], [1], [0, 0, 1, 1], [], []>, transpose_lhs_hint = false} : vector<4096x16xf32>, vector<16x512xf32>, vector<4096x512xf32> -> vector<4096x512xf32>
    %get3A_11 = arith.constant 0 : index
    %get3A_12 = arith.constant 0 : index
    %get3A_13 = vector.load %arg4[%get3A_11, %get3A_12] : memref<1x512xf32, #tpu.memory_space<vmem>>, vector<1x512xf32>
    %add3A_14 = vector.broadcast %get3A_13 : vector<1x512xf32> to vector<4096x512xf32>
    %add3A_15 = arith.addf %dot_general3A_10, %add3A_14 : vector<4096x512xf32>
    %tanh3A = math.tanh %add3A_15 : vector<4096x512xf32>
    %get3A_16 = arith.constant 0 : index
    %get3A_17 = arith.constant 0 : index
    %get3A_18 = vector.load %arg5[%get3A_16, %get3A_17] : memref<512x192xf32, #tpu.memory_space<vmem>>, vector<512x192xf32>
    %dot_general3A_19 = arith.constant dense<0.000000e+00> : vector<4096x192xf32>
    %dot_general3A_20 = tpu.matmul %tanh3A, %get3A_18, %dot_general3A_19 {dimension_numbers = #tpu.dot_dimension_numbers<[1], [0], [0], [1], [0, 0, 1, 1], [], []>, transpose_lhs_hint = false} : vector<4096x512xf32>, vector<512x192xf32>, vector<4096x192xf32> -> vector<4096x192xf32>
    %get3A_21 = arith.constant 0 : index
    %get3A_22 = arith.constant 0 : index
    %get3A_23 = vector.load %arg6[%get3A_21, %get3A_22] : memref<1x192xf32, #tpu.memory_space<vmem>>, vector<1x192xf32>
    %add3A_24 = vector.broadcast %get3A_23 : vector<1x192xf32> to vector<4096x192xf32>
    %add3A_25 = arith.addf %dot_general3A_20, %add3A_24 : vector<4096x192xf32>
    %tanh3A_26 = math.tanh %add3A_25 : vector<4096x192xf32>
    %add3A_27 = arith.constant 1.000000e+00 : f32
    %add3A_28 = vector.broadcast %add3A_27 : f32 to vector<4096x192xf32>
    %add3A_29 = arith.addf %tanh3A_26, %add3A_28 : vector<4096x192xf32>
    %mul3A_30 = arith.constant 5.000000e-01 : f32
    %mul3A_31 = vector.broadcast %mul3A_30 : f32 to vector<4096x192xf32>
    %mul3A_32 = arith.mulf %add3A_29, %mul3A_31 : vector<4096x192xf32>
    %swap3A = arith.constant 0 : index
    %swap3A_33 = arith.constant 0 : index
    %swap3A_34 = vector.load %arg7[%swap3A, %swap3A_33] : memref<4096x192xf32, #tpu.memory_space<vmem>>, vector<4096x192xf32>
    tpu.vector_store %arg7[%swap3A, %swap3A_33], %mul3A_32 {strides = array<i32>} : memref<4096x192xf32, #tpu.memory_space<vmem>>, vector<4096x192xf32>,
    return
  }
  func.func @transform_0(%arg0: i32) -> (i32, i32, i32) {
    %c0_i32 = arith.constant 0 : i32
    %c0_i32_0 = arith.constant 0 : i32
    %c0_i32_1 = arith.constant 0 : i32
    return %c0_i32, %arg0, %c0_i32_0 : i32, i32, i32
  }
  func.func @transform_1(%arg0: i32) -> (i32, i32) {
    %c0_i32 = arith.constant 0 : i32
    %c0_i32_0 = arith.constant 0 : i32
    return %arg0, %c0_i32 : i32, i32
  }
  func.func @transform_2(%arg0: i32) -> (i32, i32) {
    %c0_i32 = arith.constant 0 : i32
    %c0_i32_0 = arith.constant 0 : i32
    %c0_i32_1 = arith.constant 0 : i32
    return %c0_i32, %c0_i32_0 : i32, i32
  }
  func.func @transform_3(%arg0: i32) -> (i32, i32) {
    %c0_i32 = arith.constant 0 : i32
    %c0_i32_0 = arith.constant 0 : i32
    %c0_i32_1 = arith.constant 0 : i32
    return %c0_i32, %c0_i32_0 : i32, i32
  }
  func.func @transform_4(%arg0: i32) -> (i32, i32) {
    %c0_i32 = arith.constant 0 : i32
    %c0_i32_0 = arith.constant 0 : i32
    %c0_i32_1 = arith.constant 0 : i32
    return %c0_i32, %c0_i32_0 : i32, i32
  }
  func.func @transform_5(%arg0: i32) -> (i32, i32) {
    %c0_i32 = arith.constant 0 : i32
    %c0_i32_0 = arith.constant 0 : i32
    %c0_i32_1 = arith.constant 0 : i32
    return %c0_i32, %c0_i32_0 : i32, i32
  }
  func.func @transform_6(%arg0: i32) -> (i32, i32) {
    %c0_i32 = arith.constant 0 : i32
    %c0_i32_0 = arith.constant 0 : i32
    return %arg0, %c0_i32 : i32, i32
  }
}

</mosaic_0001>

<sc_bundles>
// kernel: sparse-core-data-format-call.cloned.1.call-start
scs
called_computation_lowered:
.L_overlay_start_0:
0x0: {  	s2 =	sld [smem:$0x3FD9]  }
0x1: {  	s3 =	sld [smem:$0x3FFE];
	_ =	sdelay $0x1  }
0x2: {  	s1 =	srdreg.scid  }
0x3: {  	s0 =	sand.u32 $0x1, s1  }
0x4: {  	s18 =	sshll.u32 s0, $0xA;
	s2 =	sadd.s32 s3, s2  }
0x5: {  	s2 =	sadd.s32 s2, s18  }
0x6: {  	[smem:$0x3FB6] =	sst s2  }
0x7: {  	_ = 	snop  }
0x8: {  	s2 =	sld [smem:$0x3FC9];
	(tm) =	ssettm $0x1  }
0x9: {  	s19 =	sld [smem:$0x3FFB];
	_ =	sdelay $0x3  }
0xa: {  	_ =	strace s19  }
0xb: {  	s3 =	sld [smem:$0x3FFC];
	_ =	sdelay $0x3  }
0xc: {  	_ =	strace s3  }
0xd: {  	s3 =	sld [smem:$0x3FFD];
	_ =	sdelay $0x3  }
0xe: {  	_ =	strace s3  }
0xf: {  	_ =	strace $0x8FFFFFFF  }
0x10: {  	s20 =	sld [smem:$0x3FDB];
	_ =	sdelay $0x1  }
0x11: {  	s4 =	simm.s32 $_scs_section_size  }
0x12: {  	s5 =	simm.s32 $_size__tile_overlayer_lowered;
	s6 =	simm.s32 $_tile_overlayer_lowered  }
0x13: {  	s23 =	simm.s32 $0x1BFF;
	s22 =	sshll.u32 s6, $0x1;
	s3 =	sadd.s32 s4, s20  }
0x14: {  	s7 =	simm.s32 $0x0;
	s21 =	sshll.u32 s5, $0x1;
	s5 =	sadd.s32 s22, s3  }
0x15: {  	[timem:s7], [sflag:s23] =	dma.local [hbm:s5], s21  }
0x16: {  	_ =	swait.ge [sflag:s23], s21  }
0x17: {  	s4 =	ssub.s32 $0x0, s21;
	[sflag:s23] =	ssyncset.done $0x0  }
0x18: {  	[sflag:s23] =	ssyncadd.s32 s4;
	_ =	sdelay $0x1  }
0x19: {  	s24 =	simm.s32 $0x1B8B  }
0x1a: {  	_ =	swait.ge [sflag:s24], $0x1  }
0x1b: {  	[sflag:s24] =	ssyncset.done $0x0  }
0x1c: {  	s26 =	simm.s32 $0x1B8E;
	s25 =	sld [smem:$0x3FFE];
	[sflag:s24] =	ssyncadd.s32 $0xFFFFFFFF  }
0x1d: {  	s27 =	simm.s32 $execute0_lowered;
	[smem:$0x3FD2] =	sst s26  }
0x1e: {  	s5 =	sshll.u32 s27, $0x1;
	_ =	strace $0x80000046;
	[dreg:$0x1] =	wrdreg $0xFFFFFFFF  }
0x1f: {  	s28 =	simm.s32 $_size_execute0_lowered;
	s3 =	sadd.s32 s3, s5;
	[dreg:$0x0] =	wrdreg $0x0  }
0x20: {  	s5 =	sshll.u32 s28, $0x1;
	[dreg:$0x2] =	wrdreg s3  }
0x21: {  	[dreg:$0x3] =	wrdreg s5  }
0x22: {  	[dreg:$0x4] =	wrdreg $0xC0  }
0x23: {  	_ =	task [dreg:s7], $0x5FFFF  }
0x24: {  	[dreg:$0x1] =	wrdreg $0xFFFFFFFF  }
0x25: {  	[dreg:$0x0] =	wrdreg $0x60  }
0x26: {  	[dreg:$0x2] =	wrdreg s2  }
0x27: {  	[dreg:$0x3] =	wrdreg s25  }
0x28: {  	[dreg:$0x4] =	wrdreg $0x9  }
0x29: {  	_ =	task.clear_ibuf [dreg:s7], $0x5FFFF;
	_ =	strace $0x90000046  }
0x2a: {  	s29 =	simm.s32 $0x9;
	_ =	strace $0x80000048  }
0x2b: {  	_ =	swait.ge [sflag:s29], $0x1  }
0x2c: {  	[sflag:s29] =	ssyncadd.s32 $0xFFFFFFFF  }
0x2d: {  	_ =	strace $0x90000048  }
0x2e: {  	_ =	sfence  }
0x2f: {  	s30 =	sld [smem:$0x0];
	_ =	sdelay $0x2  }
0x30: {  	s31 =	sshll.u32 s1, $0xD;
	s1 =	sshrl.u32 s1, $0x2  }
0x31: {  	s3 =	sand.u32 $0x4000, s31;
	s1 =	sadd.s32 s1, s30  }
0x32: {  	s0 =	sor.u32 s3, s0;
	s1 =	sshll.u32 s1, $0x11  }
0x33: {  	s0 =	sor.u32 s1, s0  }
0x34: {  	s0 =	sadd.s32 $0x8F2B, s0  }
0x35: {  	[sflag:s0] =	ssyncadd.remote.s32 $0x1  }
0x36: {  	_ =	sfence.sel $0xFFFF  }
0x37: {  	[dreg:$0x0] =	wrdreg $0xFFFFFFFF;
	(pc) =	sbr.abs _section_cstart, $3  }
0x38: {  	[dreg:$0x1] =	wrdreg $0xFFFFFFFF  }
0x39: {  	_ =	task.clear_ibuf [dreg:s7], $0x2FFFF;
	_ =	strace $0x9FFFFFFF  }
0x3a: {  	(tm) =	ssettm $0x7FFFFFFF  }
0x3b: {  	_ =	shalt  }
tec
execute0_lowered:
.L_overlay_start_1:
0x0: {  	(tag) =	ssettag $0x1  }
0x1: {  	s2 =	rddreg [dreg:$0x0]  }
0x2: {  	s4 =	rddreg [dreg:$0x1]  }
0x3: {  	s0 =	rddreg [dreg:$0x2];
	_ =	strace $0x80000047  }
0x4: {  	s3 =	srdreg.scid;
	s1 =	stileid.u32;
	s6 =	simm.s32 $0x2  }
.Ltmp0:
0x5: {  	p0 =	por $0x0, $0x0;
	s10 =	simm.s32 $0x0;
	(pc) =	sbr.rel .LBB1_1-.Ltmp0, $4  }
0x6: {  	s11 =	simm.s32 $0x0;
	s8 =	simm.s32 $0x0;
	s5 =	sshll.u32 s3, $0x4  }
0x7: {  	s7 =	simm.s32 $0x0;
	s3 =	simm.s32 $0x1;
	s5 =	sand.u32 $0x10, s5  }
0x8: {  	s4 =	sadd.s32 $0x2E00, s4;
	[sflag:s3] =	ssyncpa.u1 $0x0;
	s5 =	sor.u32 s1, s5  }
0x9: {  	[sflag:s6] =	ssyncpa.u1 $0x0;
	s6 =	simm.s32 $0x0;
	s9 =	smov.u32 s5  }
.LBB1_7:
0xa: {  	s12 =	sadd.s32 $0x1, s8  }
0xb: {  	s10 =	sadd.s32 $0x20, s9;
	s14 =	smov.u32 s9;
	p2 =	sgt.s32 s12, $0x17  }
0xc: {  	p1 =	slt.u32 s7, $0x2;
	s14 =	smov.u32 @p2 s10  }
0xd: {  	s7 =	sadd.s32 $0x1, s7;
	s12 =	simm.s32 @p2 $0x0;
	p2 =	sgt.s32 s14, $0x3F  }
0xe: {  	s14 =	smov.u32 @p2 s5;
	p2 =	sne.s32 s7, $0x32  }
.Ltmp1:
0xf: {  	_ = 	snop;
	(pc) =	sbr.rel @!p2 .LBB1_8-.Ltmp1, $4  }
0x10: {  	s13 =	simm.s32 @!p1 $0x2  }
0x11: {  	s11 =	smov.u32 s9;
	_ =	swait.ge @!p1 [sflag:s13], $0x4000  }
0x12: {  	p0 =	por !p0, !p0;
	s10 =	smov.u32 s8;
	[sflag:s13] =	ssyncset.done @!p1 $0x0  }
0x13: {  	s8 =	smov.u32 s12;
	[sflag:s13] =	ssyncadd.s32 @!p1 $0xFFFFC000;
	s9 =	smov.u32 s14  }
.LBB1_1:
0x14: {  	p1 =	sgt.u32 s7, $0x2F  }
0x15: {  	s12 =	smul.u32 @!p1 $0xC000, s9  }
0x16: {  	s13 =	sxor.u32 @!p1 $0xFFFFFFFF, s7  }
0x17: {  	s14 =	sshll.u32 @!p1 s8, $0xB;
	s13 =	sshll.u32 @!p1 s13, $0xE;
	s12 =	sadd.s32 @!p1 s2, s12  }
0x18: {  	s13 =	sand.u32 @!p1 $0x4000, s13;
	s12 =	sadd.s32 @!p1 s14, s12;
	s14 =	simm.s32 @!p1 $0x0  }
0x19: {  	[tilespmem:s13], [sflag:$0x1] =	stream.linear.gather @!p1 [hbm4b:s12+s14], $0x4000, $0x38;
	[tilespmem:$0x10000] =	vst v63  }
0x1a: {  	p1 =	seq.s32 s7, $0x0  }
0x1b: {  	p2 =	seq.s32 @!p1 s7, $0x31  }
0x1c: {  	p1 =	por p1, p2  }
.Ltmp2:
0x1d: {  	_ = 	snop;
	(pc) =	sbr.rel @p1 .LBB1_7-.Ltmp2, $1  }
0x1e: {  	_ =	sdelay $0x3  }
0x1f: {  	s12 =	simm.s32 $0x1;
	_ =	swait.ge [sflag:s3], $0x4000;
	s15 =	sshll.u32 s7, $0xE  }
0x20: {  	s12 =	simm.s32 @!p0 $0x0;
	[sflag:s3] =	ssyncset.done $0x0;
	s31 =	sand.u32 $0x4000, s15  }
0x21: {  	s15 =	simm.s32 $0x0;
	s13 =	sshll.u32 s12, $0xE;
	[sflag:s3] =	ssyncadd.s32 $0xFFFFC000  }
0x22: {  	s12 =	sor.u32 $0x8800, s13;
	s14 =	sor.u32 $0x800, s13;
	s13 =	sor.u32 $0x8000, s31  }
.LBB1_3:
0x23: {  	v0 =	vld [tilespmem:s14+$0x470]  }
0x24: {  	v1 =	vld [tilespmem:s14+$0xFFFFF810]  }
0x25: {  	v2 =	vld [tilespmem:s14+$0xFFFFF820]  }
0x26: {  	v3 =	vld [tilespmem:s14+$0xFFFFF830]  }
0x27: {  	v4 =	vld [tilespmem:s14+$0xFFFFF840]  }
0x28: {  	v5 =	vld [tilespmem:s14+$0xFFFFF850];
	[tilespmem:s12+$0x470] =	vst v0  }
0x29: {  	[tilespmem:s12+$0xFFFFF810] =	vst v1;
	v0 =	vld [tilespmem:s14+$0xFFFFF860]  }
0x2a: {  	[tilespmem:s12+$0xFFFFF820] =	vst v2;
	v1 =	vld [tilespmem:s14+$0xFFFFF870]  }
0x2b: {  	[tilespmem:s12+$0xFFFFF830] =	vst v3;
	v2 =	vld [tilespmem:s14+$0xFFFFFC00]  }
0x2c: {  	[tilespmem:s12+$0xFFFFF840] =	vst v4;
	v3 =	vld [tilespmem:s14+$0xFFFFFC10]  }
0x2d: {  	[tilespmem:s12+$0xFFFFF850] =	vst v5;
	v4 =	vld [tilespmem:s14+$0xFFFFFC20]  }
0x2e: {  	v5 =	vld [tilespmem:s14+$0x420];
	[tilespmem:s12+$0xFFFFF860] =	vst v0  }
0x2f: {  	v0 =	vld [tilespmem:s14+$0xFFFFFC30];
	[tilespmem:s12+$0xFFFFF870] =	vst v1  }
0x30: {  	v1 =	vld [tilespmem:s14+$0xFFFFFC40];
	[tilespmem:s12+$0xFFFFFC00] =	vst v2  }
0x31: {  	[tilespmem:s12+$0xFFFFFC10] =	vst v3;
	v3 =	vld [tilespmem:s14+$0xFFFFFC60]  }
0x32: {  	[tilespmem:s12+$0xFFFFFC20] =	vst v4;
	v4 =	vld [tilespmem:s14+$0xFFFFFC70]  }
0x33: {  	v2 =	vld [tilespmem:s14+$0xFFFFFC50];
	[tilespmem:s12+$0x420] =	vst v5  }
0x34: {  	[tilespmem:s12+$0xFFFFFC30] =	vst v0;
	v0 =	vld [tilespmem:s14+$0x0]  }
0x35: {  	[tilespmem:s12+$0xFFFFFC40] =	vst v1;
	v1 =	vld [tilespmem:s14+$0x10]  }
0x36: {  	[tilespmem:s12+$0xFFFFFC60] =	vst v3;
	v3 =	vld [tilespmem:s14+$0x30]  }
0x37: {  	[tilespmem:s12+$0xFFFFFC70] =	vst v4;
	v4 =	vld [tilespmem:s14+$0x40]  }
0x38: {  	[tilespmem:s12+$0xFFFFFC50] =	vst v2;
	v2 =	vld [tilespmem:s14+$0x20]  }
0x39: {  	[tilespmem:s12+$0x0] =	vst v0;
	v0 =	vld [tilespmem:s14+$0x50]  }
0x3a: {  	[tilespmem:s12+$0x10] =	vst v1;
	v1 =	vld [tilespmem:s14+$0x60]  }
0x3b: {  	[tilespmem:s12+$0x30] =	vst v3;
	v3 =	vld [tilespmem:s14+$0x400]  }
0x3c: {  	[tilespmem:s12+$0x40] =	vst v4;
	v4 =	vld [tilespmem:s14+$0x410]  }
0x3d: {  	[tilespmem:s12+$0x20] =	vst v2;
	v2 =	vld [tilespmem:s14+$0x70]  }
0x3e: {  	[tilespmem:s12+$0x50] =	vst v0;
	v0 =	vld [tilespmem:s14+$0x430]  }
0x3f: {  	[tilespmem:s12+$0x60] =	vst v1;
	v1 =	vld [tilespmem:s14+$0x440]  }
0x40: {  	[tilespmem:s12+$0x400] =	vst v3;
	v3 =	vld [tilespmem:s14+$0x450]  }
0x41: {  	[tilespmem:s12+$0x410] =	vst v4;
	v4 =	vld [tilespmem:s14+$0x460]  }
0x42: {  	s17 =	simm.s32 $0x0;
	s18 =	sadd.s32 $0x1000, s14;
	s16 =	smov.u32 s12;
	[tilespmem:s12+$0x70] =	vst v2;
	v2 =	vld [tilespmem:s14+$0xFFFFF800]  }
.LBB1_4:
0x43: {  	v5 =	vld [tilespmem:s18+$0x470];
	s17 =	sadd.s32 $0x200, s17;
	[tilespmem:s16+$0x430] =	vst v0  }
0x44: {  	v0 =	vld [tilespmem:s18+$0xFFFFF810];
	p1 =	slt.u32 s17, $0x600;
	[tilespmem:s16+$0x440] =	vst v1  }
0x45: {  	v1 =	vld [tilespmem:s18+$0xFFFFF820];
	[tilespmem:s16+$0x450] =	vst v3  }
0x46: {  	v3 =	vld [tilespmem:s18+$0xFFFFF830];
	[tilespmem:s16+$0x460] =	vst v4  }
0x47: {  	v4 =	vld [tilespmem:s18+$0xFFFFF840];
	[tilespmem:s16+$0xFFFFF800] =	vst v2;
	s16 =	sadd.s32 $0x1000, s16  }
0x48: {  	v2 =	vld [tilespmem:s18+$0xFFFFF850];
	[tilespmem:s16+$0x470] =	vst v5  }
0x49: {  	[tilespmem:s16+$0xFFFFF810] =	vst v0;
	v0 =	vld [tilespmem:s18+$0xFFFFF860]  }
0x4a: {  	[tilespmem:s16+$0xFFFFF820] =	vst v1;
	v1 =	vld [tilespmem:s18+$0xFFFFF870]  }
0x4b: {  	[tilespmem:s16+$0xFFFFF830] =	vst v3;
	v3 =	vld [tilespmem:s18+$0xFFFFFC00]  }
0x4c: {  	[tilespmem:s16+$0xFFFFF840] =	vst v4;
	v4 =	vld [tilespmem:s18+$0xFFFFFC10]  }
0x4d: {  	[tilespmem:s16+$0xFFFFF850] =	vst v2;
	v2 =	vld [tilespmem:s18+$0xFFFFFC20]  }
0x4e: {  	[tilespmem:s16+$0xFFFFF860] =	vst v0;
	v0 =	vld [tilespmem:s18+$0xFFFFFC30]  }
0x4f: {  	[tilespmem:s16+$0xFFFFF870] =	vst v1;
	v1 =	vld [tilespmem:s18+$0xFFFFFC40]  }
0x50: {  	[tilespmem:s16+$0xFFFFFC00] =	vst v3;
	v3 =	vld [tilespmem:s18+$0xFFFFFC50]  }
0x51: {  	[tilespmem:s16+$0xFFFFFC10] =	vst v4;
	v4 =	vld [tilespmem:s18+$0xFFFFFC60]  }
0x52: {  	[tilespmem:s16+$0xFFFFFC20] =	vst v2;
	v2 =	vld [tilespmem:s18+$0xFFFFFC70]  }
0x53: {  	[tilespmem:s16+$0xFFFFFC30] =	vst v0;
	v0 =	vld [tilespmem:s18+$0x0]  }
0x54: {  	[tilespmem:s16+$0xFFFFFC40] =	vst v1;
	v1 =	vld [tilespmem:s18+$0x10]  }
0x55: {  	[tilespmem:s16+$0xFFFFFC50] =	vst v3;
	v3 =	vld [tilespmem:s18+$0x20]  }
0x56: {  	[tilespmem:s16+$0xFFFFFC60] =	vst v4;
	v4 =	vld [tilespmem:s18+$0x30]  }
0x57: {  	[tilespmem:s16+$0xFFFFFC70] =	vst v2;
	v2 =	vld [tilespmem:s18+$0x40]  }
0x58: {  	[tilespmem:s16+$0x0] =	vst v0;
	v0 =	vld [tilespmem:s18+$0x50]  }
0x59: {  	[tilespmem:s16+$0x10] =	vst v1;
	v1 =	vld [tilespmem:s18+$0x60]  }
0x5a: {  	[tilespmem:s16+$0x20] =	vst v3;
	v3 =	vld [tilespmem:s18+$0x70]  }
0x5b: {  	[tilespmem:s16+$0x30] =	vst v4;
	v4 =	vld [tilespmem:s18+$0x400]  }
0x5c: {  	[tilespmem:s16+$0x40] =	vst v2;
	v2 =	vld [tilespmem:s18+$0x410]  }
0x5d: {  	[tilespmem:s16+$0x50] =	vst v0;
	v5 =	vld [tilespmem:s18+$0x420]  }
.Ltmp3:
0x5e: {  	[tilespmem:s16+$0x60] =	vst v1;
	v0 =	vld [tilespmem:s18+$0x430];
	(pc) =	sbr.rel @p1 .LBB1_4-.Ltmp3, $4  }
0x5f: {  	[tilespmem:s16+$0x70] =	vst v3;
	v1 =	vld [tilespmem:s18+$0x440]  }
0x60: {  	[tilespmem:s16+$0x400] =	vst v4;
	v3 =	vld [tilespmem:s18+$0x450]  }
0x61: {  	[tilespmem:s16+$0x410] =	vst v2;
	v4 =	vld [tilespmem:s18+$0x460]  }
0x62: {  	v2 =	vld [tilespmem:s18+$0xFFFFF800];
	[tilespmem:s16+$0x420] =	vst v5;
	s18 =	sadd.s32 $0x1000, s18  }
0x63: {  	s15 =	sadd.s32 $0x1, s15  }
0x64: {  	p1 =	sne.s32 s15, $0x8  }
.Ltmp4:
0x65: {  	[tilespmem:s16+$0x430] =	vst v0;
	(pc) =	sbr.rel @p1 .LBB1_3-.Ltmp4, $4  }
0x66: {  	[tilespmem:s16+$0x440] =	vst v1  }
0x67: {  	[tilespmem:s16+$0x450] =	vst v3  }
0x68: {  	[tilespmem:s16+$0x460] =	vst v4  }
0x69: {  	s12 =	sadd.s32 $0x80, s12;
	s14 =	sadd.s32 $0x80, s14;
	[tilespmem:s16+$0xFFFFF800] =	vst v2  }
.Ltmp5:
0x6a: {  	(pc) =	sbr.rel .LBB1_7-.Ltmp5, $4  }
0x6b: {  	s11 =	sshll.u32 s11, $0xB  }
0x6c: {  	s10 =	sshll.u32 s10, $0x11;
	s11 =	sadd.s32 s4, s11  }
0x6d: {  	s10 =	sadd.s32 s10, s11  }
0x6e: {  	[hbm4b:s10+s6] =	stream.linear.scatter [tilespmem:s13], [sflag:$0x2], $0x4000, $0x38;
	[tilespmem:$0x10000] =	vst v63  }
.LBB1_8:
0x6f: {  	_ =	sfence.sel $0x180000  }
0x70: {  	s2 =	simm.s32 $0x1;
	[bflag:$0x0] =	sbarrier.arrive $0xFFFF  }
0x71: {  	s31 =	simm.s32 $0x2;
	[sflag:s2] =	ssyncpa.u1 $0x1  }
0x72: {  	[sflag:s31] =	ssyncpa.u1 $0x1  }
0x73: {  	p0 =	sne.s32 s1, $0x0;
	_ =	strace $0x90000047  }
0x74: {  	s0 =	sadd.s32 @!p0 $0x100000, s0;
	[bflag:$0x2] =	sbarrier.arrive $0xFFFF  }
0x75: {  	[sflag:s0] =	ssyncadd.tile.s32 @!p0 $0x1;
	_ =	shalt  }
.Lfunc_end1:
_tile_overlayer_lowered:
.L_overlay_start_2:
0x76: {  	(tag) =	ssettag $0x2  }
0x77: {  	s0 =	rddreg [dreg:$0x0];
	s2 =	stileid.u32  }
0x78: {  	s1 =	rddreg [dreg:$0x1];
	p0 =	sne.s32 s2, $0x0  }
0x79: {  	s3 =	rddreg [dreg:$0x2];
	[bflag:$0x3] =	sbarrier.arrive $0xFFFF;
	s2 =	simm.s32 @!p0 $0x1C01  }
0x7a: {  	[timem:s3], [sflag:s2] =	dma.local @!p0 [hbm:s0], s1  }
0x7b: {  	s0 =	simm.s32 @!p0 $0x1  }
0x7c: {  	_ =	swait.ge @!p0 [sflag:s0], s1  }
0x7d: {  	s1 =	ssub.s32 @!p0 $0x0, s1;
	[sflag:s0] =	ssyncset.done @!p0 $0x0  }
0x7e: {  	[sflag:s0] =	ssyncadd.s32 @!p0 s1  }
0x7f: {  	[bflag:$0x3] =	sbarrier.arrive $0xFFFF  }
0x80: {  	_ =	shalt  }

</sc_bundles>
